<compile_context>
chip_gen: v7x
topology: tpu7x:2x2x1
jax: 0.10.2.dev20260603
libtpu: 0.0.44.dev20260713+nightly
codegen_flags: <defaults>
</compile_context>

<pallas_src>
import functools

import jax
import jax.numpy as jnp
from jax import lax
from jax.experimental import pallas as pl
from jax.experimental.pallas import tpu as pltpu, tpu_sc as plsc

NV = 50000
D = 256
C = 512
NP = 100000
NSEG = 5000
NSEG_PAD = 5120
ROWS_PER_TILE = 320
NW = 32
BATCH = 112
NBATCH = 28
CHUNK = BATCH * NBATCH
NP_PAD = NW * CHUNK

RB = 1000
SB = 1000



def _stage_b(adapter_feats, caption_embed, param11):

    def body(p_ref, f_ref, e_ref, nf_ref, ax_ref):
        x = f_ref[...]
        s2 = jnp.sum(x * x, axis=1, keepdims=True)
        n = x / (jnp.sqrt(s2) + 1e-12)
        nf_ref[...] = n
        scale = jnp.exp(p_ref[0, 0])
        logits = lax.dot_general(
            n, e_ref[...], (((1,), (1,)), ((), ())),
            preferred_element_type=jnp.float32) * scale
        m = jnp.max(logits, axis=1, keepdims=True)
        lse = m + jnp.log(jnp.sum(jnp.exp(logits - m), axis=1, keepdims=True))
        iot = lax.broadcasted_iota(jnp.int32, (RB, 16), 1)
        ax_ref[...] = jnp.where(iot == 0, lse,
                                jnp.where(iot == 1, jnp.float32(1.0),
                                          jnp.float32(0.0)))

    return pl.pallas_call(
        body,
        grid=(NV // RB,),
        in_specs=[
            pl.BlockSpec((1, 1), lambda i: (i * 0, i * 0), memory_space=pltpu.SMEM),
            pl.BlockSpec((RB, D), lambda i: (i, i * 0)),
            pl.BlockSpec((C, D), lambda i: (i * 0, i * 0)),
        ],
        out_specs=[
            pl.BlockSpec((RB, D), lambda i: (i, i * 0)),
            pl.BlockSpec((RB, 16), lambda i: (i, i * 0)),
        ],
        out_shape=[
            jax.ShapeDtypeStruct((NV, D), jnp.float32),
            jax.ShapeDtypeStruct((NV, 16), jnp.float32),
        ],
    )(param11, adapter_feats, caption_embed)


def _stage_c(nf, ax, v2p_i32, pt3, seg3, zg, za):
    mesh = plsc.VectorSubcoreMesh(
        core_axis_name="c", subcore_axis_name="s", num_cores=2, num_subcores=16)

    @functools.partial(
        pl.kernel,
        compiler_params=pltpu.CompilerParams(use_tc_tiling_on_sc=False),
        out_type=(
            jax.ShapeDtypeStruct((2, NSEG_PAD, D), jnp.float32),
            jax.ShapeDtypeStruct((2, NSEG_PAD, 16), jnp.float32),
        ),
        mesh=mesh,
        scratch_types=[
            pltpu.VMEM((NBATCH, BATCH), jnp.int32),
            pltpu.VMEM((NBATCH, BATCH), jnp.int32),
            pltpu.VMEM((BATCH,), jnp.int32),
            pltpu.VMEM((BATCH,), jnp.int32),
            pltpu.VMEM((BATCH, D), jnp.float32),
            pltpu.VMEM((BATCH, 16), jnp.float32),
            pltpu.VMEM_SHARED((NSEG_PAD, D), jnp.float32),
            pltpu.VMEM_SHARED((NSEG_PAD, 16), jnp.float32),
            pltpu.SemaphoreType.DMA,
        ],
    )
    def sc_call(nf_hbm, ax_hbm, v2p_hbm, pt_hbm, seg_hbm, zg_hbm, za_hbm,
                g_out, a_out, pt_v, seg_v, u_v, seg_b, rows_v, arow_v,
                g_sh, a_sh, sem):
        cid = lax.axis_index("c")
        sid = lax.axis_index("s")
        wid = cid * 16 + sid
        pltpu.sync_copy(zg_hbm, g_sh.at[pl.ds(sid * ROWS_PER_TILE, ROWS_PER_TILE)])
        pltpu.sync_copy(za_hbm, a_sh.at[pl.ds(sid * ROWS_PER_TILE, ROWS_PER_TILE)])
        pltpu.sync_copy(pt_hbm.at[wid], pt_v)
        pltpu.sync_copy(seg_hbm.at[wid], seg_v)
        plsc.subcore_barrier()

        def batch(j, carry):
            for k in range(BATCH // 16):
                sl = pl.ds(k * 16, 16)
                seg_b[sl] = seg_v[j, sl]
            pltpu.async_copy(v2p_hbm.at[pt_v.at[j]], u_v, sem).wait()
            pltpu.async_copy(nf_hbm.at[u_v], rows_v, sem).wait()
            pltpu.async_copy(ax_hbm.at[u_v], arow_v, sem).wait()
            pltpu.sync_copy(rows_v, g_sh.at[seg_b], add=True)
            pltpu.sync_copy(arow_v, a_sh.at[seg_b], add=True)
            return carry

        lax.fori_loop(0, NBATCH, batch, 0)
        plsc.subcore_barrier()
        rows = pl.ds(sid * ROWS_PER_TILE, ROWS_PER_TILE)
        pltpu.sync_copy(g_sh.at[rows], g_out.at[cid, rows])
        pltpu.sync_copy(a_sh.at[rows], a_out.at[cid, rows])

    return sc_call(nf, ax, v2p_i32, pt3, seg3, zg, za)


def _stage_d(g0, g1, a0, a1, caption_embed, param11):
    def body(p_ref, g0_ref, g1_ref, a0_ref, a1_ref, e_ref, out_ref, cnt_ref):
        g = g0_ref[...] + g1_ref[...]
        a = a0_ref[...] + a1_ref[...]
        lsum = a[:, 0:1]
        cnt = a[:, 1:2]
        scale = jnp.exp(p_ref[0, 0])
        logits = lax.dot_general(
            g, e_ref[...], (((1,), (1,)), ((), ())),
            preferred_element_type=jnp.float32) * scale
        denom = jnp.where(cnt > 0, 1.0 / jnp.maximum(cnt, 1.0),
                          jnp.float32(0.0))
        out_ref[...] = (logits - lsum) * denom
        cnt_ref[...] = jnp.broadcast_to(cnt, (SB, 8))

    return pl.pallas_call(
        body,
        grid=(NSEG // SB,),
        in_specs=[
            pl.BlockSpec((1, 1), lambda i: (i * 0, i * 0), memory_space=pltpu.SMEM),
            pl.BlockSpec((SB, D), lambda i: (i, i * 0)),
            pl.BlockSpec((SB, D), lambda i: (i, i * 0)),
            pl.BlockSpec((SB, 16), lambda i: (i, i * 0)),
            pl.BlockSpec((SB, 16), lambda i: (i, i * 0)),
            pl.BlockSpec((C, D), lambda i: (i * 0, i * 0)),
        ],
        out_specs=[
            pl.BlockSpec((SB, C), lambda i: (i, i * 0)),
            pl.BlockSpec((SB, 8), lambda i: (i, i * 0)),
        ],
        out_shape=[
            jax.ShapeDtypeStruct((NSEG, C), jnp.float32),
            jax.ShapeDtypeStruct((NSEG, 8), jnp.float32),
        ],
    )(param11, g0, g1, a0, a1, caption_embed)


def kernel(adapter_feats, v2p_map, caption_embed, point_idx, segment_ids,
           logit_scale_param):
    adapter_feats = adapter_feats.astype(jnp.float32)
    caption_embed = caption_embed.astype(jnp.float32)
    param11 = jnp.reshape(logit_scale_param.astype(jnp.float32), (1, 1))

    v2p_i32 = v2p_map.astype(jnp.int32)
    pt = jnp.pad(point_idx.astype(jnp.int32), (0, NP_PAD - NP))
    seg = jnp.pad(segment_ids.astype(jnp.int32), (0, NP_PAD - NP),
                  constant_values=NSEG)
    pt3 = jnp.reshape(pt, (NW, NBATCH, BATCH))
    seg3 = jnp.reshape(seg, (NW, NBATCH, BATCH))
    zg = jnp.zeros((ROWS_PER_TILE, D), jnp.float32)
    za = jnp.zeros((ROWS_PER_TILE, 16), jnp.float32)

    nf, ax = _stage_b(adapter_feats, caption_embed, param11)
    g_out, a_out = _stage_c(nf, ax, v2p_i32, pt3, seg3, zg, za)
    pooled, cnt8 = _stage_d(g_out[0, :NSEG], g_out[1, :NSEG],
                            a_out[0, :NSEG], a_out[1, :NSEG],
                            caption_embed, param11)
    zero_loss = jnp.zeros((), jnp.float32)
    return pooled, cnt8[:, 0], zero_loss

# --- scband reference (transcript-rebuilt; emitter-appended) ---
"""Pipeline reference for scband-caption-head-3032246911349 (READ-ONLY COPY).

The authoritative reference and input builder live on the scoring server;
editing this copy changes nothing except your own understanding.
"""

import jax, jax.numpy as jnp
import numpy as np
jax.config.update('jax_enable_x64', True)

NUM_SEGMENTS = 5000
INIT_LOGIT_SCALE = float(np.log(1.0 / 0.07))


def setup_inputs(seed: int = 0) -> dict:
    key = jax.random.key(seed)
    k1, k2, k3, k4, k5 = jax.random.split(key, 5)
    adapter_feats = jax.random.normal(k1, (50000, 256), dtype=jnp.float32)
    v2p_map = jax.random.randint(k2, (50000,), 0, 50000, dtype=jnp.int64)
    caption_embed = jax.random.normal(k3, (512, 256), dtype=jnp.float32)
    point_idx = jax.random.randint(k4, (100000,), 0, 50000, dtype=jnp.int64)
    segment_ids = jnp.sort(jax.random.randint(k5, (100000,), 0, NUM_SEGMENTS, dtype=jnp.int64))
    # learnable logit scale parameter (logit_learnable=True): initialized to log(1/0.07)
    logit_scale_param = jnp.asarray(INIT_LOGIT_SCALE, dtype=jnp.float32)
    return {
        'adapter_feats': adapter_feats,
        'v2p_map': v2p_map,
        'caption_embed': caption_embed,
        'point_idx': point_idx,
        'segment_ids': segment_ids,
        'logit_scale_param': logit_scale_param,
    }


def reference(adapter_feats, v2p_map, caption_embed, point_idx, segment_ids, logit_scale_param):
    # 1) voxel-to-point gather: adapter_feats[v2p_map]
    feats = jnp.take(adapter_feats, v2p_map, axis=0)
    # 2) feat_norm=True: L2 normalize adapter feats (F.normalize)
    feats = feats / (jnp.linalg.norm(feats, axis=-1, keepdims=True) + 1e-12)
    # 3) learnable logit scale: exp(param)
    scale = jnp.exp(logit_scale_param)
    # 4) caption logits + log-softmax scores
    logits = (feats @ caption_embed.T.astype(jnp.float32)) * scale
    caption_scores = jax.nn.log_softmax(logits, axis=-1)
    # 5) gather per-caption point scores then segment-sum pool per caption
    gathered = jnp.take(caption_scores, point_idx, axis=0)
    pooled = jax.ops.segment_sum(gathered, segment_ids, num_segments=NUM_SEGMENTS)
    counts = jax.ops.segment_sum(jnp.ones((segment_ids.shape[0],), dtype=jnp.float32), segment_ids, num_segments=NUM_SEGMENTS)
    # mean pooling with guard against empty captions (denom=0 where no points)
    denom = jnp.where(counts > 0, 1.0 / jnp.maximum(counts, 1.0), 0.0)
    pooled_scores = pooled * denom[:, None]
    zero_loss = 0.0 * caption_scores.sum() * scale
    return pooled_scores, counts, zero_loss


if False:  # reference __main__ guard neutralized (emitter)
    out = reference(**setup_inputs())
    print([o.shape for o in out[:2]])

if __name__ == "__main__":
    import jax
    _d = setup_inputs()
    print(jax.jit(kernel)(*tuple(_d.values())))

</pallas_src>

<mosaic_0001>
#map = affine_map<(d0, d1) -> (0, 0)>
#map1 = affine_map<(d0, d1) -> (0)>
#map2 = affine_map<(d0, d1) -> (0, 0, 0)>
module attributes {stable_mosaic.version = 14 : i64} {
  func.func @sc_call(%arg0: i32, %arg1: i32, %arg2: memref<50000x256xf32, #tpu.memory_space<hbm>>, %arg3: memref<50000x16xf32, #tpu.memory_space<hbm>>, %arg4: memref<50000xi32, #tpu.memory_space<hbm>>, %arg5: memref<32x28x112xi32, #tpu.memory_space<hbm>>, %arg6: memref<32x28x112xi32, #tpu.memory_space<hbm>>, %arg7: memref<320x256xf32, #tpu.memory_space<hbm>>, %arg8: memref<320x16xf32, #tpu.memory_space<hbm>>, %arg9: memref<2x5120x256xf32, #tpu.memory_space<hbm>>, %arg10: memref<2x5120x16xf32, #tpu.memory_space<hbm>>, %arg11: memref<28x112xi32, #tpu.memory_space<vmem>>, %arg12: memref<28x112xi32, #tpu.memory_space<vmem>>, %arg13: memref<112xi32, #tpu.memory_space<vmem>>, %arg14: memref<112xi32, #tpu.memory_space<vmem>>, %arg15: memref<112x256xf32, #tpu.memory_space<vmem>>, %arg16: memref<112x16xf32, #tpu.memory_space<vmem>>, %arg17: memref<5120x256xf32, #tpu.memory_space<vmem_shared>>, %arg18: memref<5120x16xf32, #tpu.memory_space<vmem_shared>>, %arg19: memref<!tpu.dma_semaphore, #tpu.memory_space<semaphore_mem>>) attributes {dimension_semantics = [#tpu.dimension_semantics<core_parallel>, #tpu.dimension_semantics<subcore_parallel>], iteration_bounds = array<i64: 2, 16>, scalar_prefetch = 0 : i64, scratch_operands = 9 : i64, tpu.core_type = #tpu.core_type<sc_vector_subcore>, window_params = [{transform_indices = #map}, {transform_indices = #map}, {transform_indices = #map1}, {transform_indices = #map2}, {transform_indices = #map2}, {transform_indices = #map}, {transform_indices = #map}, {transform_indices = #map2}, {transform_indices = #map2}]} {
    %mul3A = arith.constant 16 : i32
    %mul3A_0 = arith.muli %arg0, %mul3A : i32
    %add3A = arith.addi %mul3A_0, %arg1 : i32
    %mul3A_1 = arith.constant 320 : i32
    %mul3A_2 = arith.muli %arg1, %mul3A_1 : i32
    "tpu.region"() ({
      %run_scoped3A = tpu.sem_alloc : memref<!tpu.dma_semaphore, #tpu.memory_space<semaphore_mem>>
      %dma_start3A = arith.constant 0 : i32
      %dma_start3A_13 = tpu.memref_slice %arg17[%mul3A_2, %dma_start3A] : memref<5120x256xf32, #tpu.memory_space<vmem_shared>> -> memref<320x256xf32, #tpu.memory_space<vmem_shared>>
      tpu.enqueue_dma source(%arg7 : memref<320x256xf32, #tpu.memory_space<hbm>>) target(%dma_start3A_13 : memref<320x256xf32, #tpu.memory_space<vmem_shared>>) target_semaphore(%run_scoped3A : memref<!tpu.dma_semaphore, #tpu.memory_space<semaphore_mem>>)
      %dma_wait3A = arith.constant 0 : i32
      %dma_wait3A_14 = tpu.memref_slice %arg17[%mul3A_2, %dma_wait3A] : memref<5120x256xf32, #tpu.memory_space<vmem_shared>> -> memref<320x256xf32, #tpu.memory_space<vmem_shared>>
      tpu.wait_dma2 semaphore(%run_scoped3A : memref<!tpu.dma_semaphore, #tpu.memory_space<semaphore_mem>>) src(%arg7 : memref<320x256xf32, #tpu.memory_space<hbm>>) dst(%dma_wait3A_14 : memref<320x256xf32, #tpu.memory_space<vmem_shared>>)
      tpu.yield
    }) : () -> ()
    %mul3A_3 = arith.constant 320 : i32
    %mul3A_4 = arith.muli %arg1, %mul3A_3 : i32
    "tpu.region"() ({
      %run_scoped3A = tpu.sem_alloc : memref<!tpu.dma_semaphore, #tpu.memory_space<semaphore_mem>>
      %dma_start3A = arith.constant 0 : i32
      %dma_start3A_13 = tpu.memref_slice %arg18[%mul3A_4, %dma_start3A] : memref<5120x16xf32, #tpu.memory_space<vmem_shared>> -> memref<320x16xf32, #tpu.memory_space<vmem_shared>>
      tpu.enqueue_dma source(%arg8 : memref<320x16xf32, #tpu.memory_space<hbm>>) target(%dma_start3A_13 : memref<320x16xf32, #tpu.memory_space<vmem_shared>>) target_semaphore(%run_scoped3A : memref<!tpu.dma_semaphore, #tpu.memory_space<semaphore_mem>>)
      %dma_wait3A = arith.constant 0 : i32
      %dma_wait3A_14 = tpu.memref_slice %arg18[%mul3A_4, %dma_wait3A] : memref<5120x16xf32, #tpu.memory_space<vmem_shared>> -> memref<320x16xf32, #tpu.memory_space<vmem_shared>>
      tpu.wait_dma2 semaphore(%run_scoped3A : memref<!tpu.dma_semaphore, #tpu.memory_space<semaphore_mem>>) src(%arg8 : memref<320x16xf32, #tpu.memory_space<hbm>>) dst(%dma_wait3A_14 : memref<320x16xf32, #tpu.memory_space<vmem_shared>>)
      tpu.yield
    }) : () -> ()
    "tpu.region"() ({
      %run_scoped3A = tpu.sem_alloc : memref<!tpu.dma_semaphore, #tpu.memory_space<semaphore_mem>>
      %dma_start3A = arith.constant 0 : i32
      %dma_start3A_13 = arith.constant 0 : i32
      %dma_start3A_14 = tpu.memref_slice %arg5[%add3A, %dma_start3A, %dma_start3A_13] : memref<32x28x112xi32, #tpu.memory_space<hbm>> -> memref<1x28x112xi32, #tpu.memory_space<hbm>>
      %dma_start3A_15 = tpu.memref_squeeze %dma_start3A_14 : memref<1x28x112xi32, #tpu.memory_space<hbm>> -> memref<28x112xi32, #tpu.memory_space<hbm>>
      %dma_start3A_16 = arith.constant 0 : i32
      %dma_start3A_17 = arith.constant 0 : i32
      %dma_start3A_18 = tpu.memref_slice %arg5[%add3A, %dma_start3A_16, %dma_start3A_17] : memref<32x28x112xi32, #tpu.memory_space<hbm>> -> memref<1x28x112xi32, #tpu.memory_space<hbm>>
      %dma_start3A_19 = tpu.memref_squeeze %dma_start3A_18 : memref<1x28x112xi32, #tpu.memory_space<hbm>> -> memref<28x112xi32, #tpu.memory_space<hbm>>
      tpu.enqueue_dma source(%dma_start3A_19 : memref<28x112xi32, #tpu.memory_space<hbm>>) target(%arg11 : memref<28x112xi32, #tpu.memory_space<vmem>>) target_semaphore(%run_scoped3A : memref<!tpu.dma_semaphore, #tpu.memory_space<semaphore_mem>>)
      %dma_wait3A = arith.constant 0 : i32
      %dma_wait3A_20 = arith.constant 0 : i32
      %dma_wait3A_21 = tpu.memref_slice %arg5[%add3A, %dma_wait3A, %dma_wait3A_20] : memref<32x28x112xi32, #tpu.memory_space<hbm>> -> memref<1x28x112xi32, #tpu.memory_space<hbm>>
      %dma_wait3A_22 = tpu.memref_squeeze %dma_wait3A_21 : memref<1x28x112xi32, #tpu.memory_space<hbm>> -> memref<28x112xi32, #tpu.memory_space<hbm>>
      %dma_wait3A_23 = arith.constant 0 : i32
      %dma_wait3A_24 = arith.constant 0 : i32
      %dma_wait3A_25 = tpu.memref_slice %arg5[%add3A, %dma_wait3A_23, %dma_wait3A_24] : memref<32x28x112xi32, #tpu.memory_space<hbm>> -> memref<1x28x112xi32, #tpu.memory_space<hbm>>
      %dma_wait3A_26 = tpu.memref_squeeze %dma_wait3A_25 : memref<1x28x112xi32, #tpu.memory_space<hbm>> -> memref<28x112xi32, #tpu.memory_space<hbm>>
      tpu.wait_dma2 semaphore(%run_scoped3A : memref<!tpu.dma_semaphore, #tpu.memory_space<semaphore_mem>>) src(%dma_wait3A_26 : memref<28x112xi32, #tpu.memory_space<hbm>>) dst(%arg11 : memref<28x112xi32, #tpu.memory_space<vmem>>)
      tpu.yield
    }) : () -> ()
    "tpu.region"() ({
      %run_scoped3A = tpu.sem_alloc : memref<!tpu.dma_semaphore, #tpu.memory_space<semaphore_mem>>
      %dma_start3A = arith.constant 0 : i32
      %dma_start3A_13 = arith.constant 0 : i32
      %dma_start3A_14 = tpu.memref_slice %arg6[%add3A, %dma_start3A, %dma_start3A_13] : memref<32x28x112xi32, #tpu.memory_space<hbm>> -> memref<1x28x112xi32, #tpu.memory_space<hbm>>
      %dma_start3A_15 = tpu.memref_squeeze %dma_start3A_14 : memref<1x28x112xi32, #tpu.memory_space<hbm>> -> memref<28x112xi32, #tpu.memory_space<hbm>>
      %dma_start3A_16 = arith.constant 0 : i32
      %dma_start3A_17 = arith.constant 0 : i32
      %dma_start3A_18 = tpu.memref_slice %arg6[%add3A, %dma_start3A_16, %dma_start3A_17] : memref<32x28x112xi32, #tpu.memory_space<hbm>> -> memref<1x28x112xi32, #tpu.memory_space<hbm>>
      %dma_start3A_19 = tpu.memref_squeeze %dma_start3A_18 : memref<1x28x112xi32, #tpu.memory_space<hbm>> -> memref<28x112xi32, #tpu.memory_space<hbm>>
      tpu.enqueue_dma source(%dma_start3A_19 : memref<28x112xi32, #tpu.memory_space<hbm>>) target(%arg12 : memref<28x112xi32, #tpu.memory_space<vmem>>) target_semaphore(%run_scoped3A : memref<!tpu.dma_semaphore, #tpu.memory_space<semaphore_mem>>)
      %dma_wait3A = arith.constant 0 : i32
      %dma_wait3A_20 = arith.constant 0 : i32
      %dma_wait3A_21 = tpu.memref_slice %arg6[%add3A, %dma_wait3A, %dma_wait3A_20] : memref<32x28x112xi32, #tpu.memory_space<hbm>> -> memref<1x28x112xi32, #tpu.memory_space<hbm>>
      %dma_wait3A_22 = tpu.memref_squeeze %dma_wait3A_21 : memref<1x28x112xi32, #tpu.memory_space<hbm>> -> memref<28x112xi32, #tpu.memory_space<hbm>>
      %dma_wait3A_23 = arith.constant 0 : i32
      %dma_wait3A_24 = arith.constant 0 : i32
      %dma_wait3A_25 = tpu.memref_slice %arg6[%add3A, %dma_wait3A_23, %dma_wait3A_24] : memref<32x28x112xi32, #tpu.memory_space<hbm>> -> memref<1x28x112xi32, #tpu.memory_space<hbm>>
      %dma_wait3A_26 = tpu.memref_squeeze %dma_wait3A_25 : memref<1x28x112xi32, #tpu.memory_space<hbm>> -> memref<28x112xi32, #tpu.memory_space<hbm>>
      tpu.wait_dma2 semaphore(%run_scoped3A : memref<!tpu.dma_semaphore, #tpu.memory_space<semaphore_mem>>) src(%dma_wait3A_26 : memref<28x112xi32, #tpu.memory_space<hbm>>) dst(%arg12 : memref<28x112xi32, #tpu.memory_space<vmem>>)
      tpu.yield
    }) : () -> ()
    %barrier3A = arith.constant 0 : index
    tpu.barrier barrier_id(%barrier3A)
    %scan3A = arith.constant 0 : i64
    %scan3A_5 = arith.constant 0 : i32
    %scan3A_6 = arith.constant 28 : i32
    %scan3A_7 = arith.addi %scan3A_5, %scan3A_6 : i32
    %scan3A_8 = arith.constant 1 : i32
    scf.for %scan3A_13 = %scan3A_5 to %scan3A_7 step %scan3A_8  : i32 {
      %get3A = arith.index_cast %scan3A_13 : i32 to index
      %get3A_14 = arith.constant 0 : index
      %get3A_15 = tpu.vector_load %arg12[%get3A, %get3A_14] {strides = array<i32>} : memref<28x112xi32, #tpu.memory_space<vmem>>, vector<1x16xi32>,
      %get3A_16 = vector.shape_cast %get3A_15 : vector<1x16xi32> to vector<16xi32>
      %swap3A = arith.constant 0 : index
      %swap3A_17 = tpu.vector_load %arg14[%swap3A] {strides = array<i32>} : memref<112xi32, #tpu.memory_space<vmem>>, vector<16xi32>,
      %swap3A_18 = vector.shape_cast %swap3A_17 : vector<16xi32> to vector<16xi32>
      %swap3A_19 = vector.shape_cast %get3A_16 : vector<16xi32> to vector<16xi32>
      tpu.vector_store %arg14[%swap3A], %swap3A_19 {strides = array<i32>} : memref<112xi32, #tpu.memory_space<vmem>>, vector<16xi32>,
      %get3A_20 = arith.index_cast %scan3A_13 : i32 to index
      %get3A_21 = arith.constant 16 : index
      %get3A_22 = tpu.vector_load %arg12[%get3A_20, %get3A_21] {strides = array<i32>} : memref<28x112xi32, #tpu.memory_space<vmem>>, vector<1x16xi32>,
      %get3A_23 = vector.shape_cast %get3A_22 : vector<1x16xi32> to vector<16xi32>
      %swap3A_24 = arith.constant 16 : index
      %swap3A_25 = tpu.vector_load %arg14[%swap3A_24] {strides = array<i32>} : memref<112xi32, #tpu.memory_space<vmem>>, vector<16xi32>,
      %swap3A_26 = vector.shape_cast %swap3A_25 : vector<16xi32> to vector<16xi32>
      %swap3A_27 = vector.shape_cast %get3A_23 : vector<16xi32> to vector<16xi32>
      tpu.vector_store %arg14[%swap3A_24], %swap3A_27 {strides = array<i32>} : memref<112xi32, #tpu.memory_space<vmem>>, vector<16xi32>,
      %get3A_28 = arith.index_cast %scan3A_13 : i32 to index
      %get3A_29 = arith.constant 32 : index
      %get3A_30 = tpu.vector_load %arg12[%get3A_28, %get3A_29] {strides = array<i32>} : memref<28x112xi32, #tpu.memory_space<vmem>>, vector<1x16xi32>,
      %get3A_31 = vector.shape_cast %get3A_30 : vector<1x16xi32> to vector<16xi32>
      %swap3A_32 = arith.constant 32 : index
      %swap3A_33 = tpu.vector_load %arg14[%swap3A_32] {strides = array<i32>} : memref<112xi32, #tpu.memory_space<vmem>>, vector<16xi32>,
      %swap3A_34 = vector.shape_cast %swap3A_33 : vector<16xi32> to vector<16xi32>
      %swap3A_35 = vector.shape_cast %get3A_31 : vector<16xi32> to vector<16xi32>
      tpu.vector_store %arg14[%swap3A_32], %swap3A_35 {strides = array<i32>} : memref<112xi32, #tpu.memory_space<vmem>>, vector<16xi32>,
      %get3A_36 = arith.index_cast %scan3A_13 : i32 to index
      %get3A_37 = arith.constant 48 : index
      %get3A_38 = tpu.vector_load %arg12[%get3A_36, %get3A_37] {strides = array<i32>} : memref<28x112xi32, #tpu.memory_space<vmem>>, vector<1x16xi32>,
      %get3A_39 = vector.shape_cast %get3A_38 : vector<1x16xi32> to vector<16xi32>
      %swap3A_40 = arith.constant 48 : index
      %swap3A_41 = tpu.vector_load %arg14[%swap3A_40] {strides = array<i32>} : memref<112xi32, #tpu.memory_space<vmem>>, vector<16xi32>,
      %swap3A_42 = vector.shape_cast %swap3A_41 : vector<16xi32> to vector<16xi32>
      %swap3A_43 = vector.shape_cast %get3A_39 : vector<16xi32> to vector<16xi32>
      tpu.vector_store %arg14[%swap3A_40], %swap3A_43 {strides = array<i32>} : memref<112xi32, #tpu.memory_space<vmem>>, vector<16xi32>,
      %get3A_44 = arith.index_cast %scan3A_13 : i32 to index
      %get3A_45 = arith.constant 64 : index
      %get3A_46 = tpu.vector_load %arg12[%get3A_44, %get3A_45] {strides = array<i32>} : memref<28x112xi32, #tpu.memory_space<vmem>>, vector<1x16xi32>,
      %get3A_47 = vector.shape_cast %get3A_46 : vector<1x16xi32> to vector<16xi32>
      %swap3A_48 = arith.constant 64 : index
      %swap3A_49 = tpu.vector_load %arg14[%swap3A_48] {strides = array<i32>} : memref<112xi32, #tpu.memory_space<vmem>>, vector<16xi32>,
      %swap3A_50 = vector.shape_cast %swap3A_49 : vector<16xi32> to vector<16xi32>
      %swap3A_51 = vector.shape_cast %get3A_47 : vector<16xi32> to vector<16xi32>
      tpu.vector_store %arg14[%swap3A_48], %swap3A_51 {strides = array<i32>} : memref<112xi32, #tpu.memory_space<vmem>>, vector<16xi32>,
      %get3A_52 = arith.index_cast %scan3A_13 : i32 to index
      %get3A_53 = arith.constant 80 : index
      %get3A_54 = tpu.vector_load %arg12[%get3A_52, %get3A_53] {strides = array<i32>} : memref<28x112xi32, #tpu.memory_space<vmem>>, vector<1x16xi32>,
      %get3A_55 = vector.shape_cast %get3A_54 : vector<1x16xi32> to vector<16xi32>
      %swap3A_56 = arith.constant 80 : index
      %swap3A_57 = tpu.vector_load %arg14[%swap3A_56] {strides = array<i32>} : memref<112xi32, #tpu.memory_space<vmem>>, vector<16xi32>,
      %swap3A_58 = vector.shape_cast %swap3A_57 : vector<16xi32> to vector<16xi32>
      %swap3A_59 = vector.shape_cast %get3A_55 : vector<16xi32> to vector<16xi32>
      tpu.vector_store %arg14[%swap3A_56], %swap3A_59 {strides = array<i32>} : memref<112xi32, #tpu.memory_space<vmem>>, vector<16xi32>,
      %get3A_60 = arith.index_cast %scan3A_13 : i32 to index
      %get3A_61 = arith.constant 96 : index
      %get3A_62 = tpu.vector_load %arg12[%get3A_60, %get3A_61] {strides = array<i32>} : memref<28x112xi32, #tpu.memory_space<vmem>>, vector<1x16xi32>,
      %get3A_63 = vector.shape_cast %get3A_62 : vector<1x16xi32> to vector<16xi32>
      %swap3A_64 = arith.constant 96 : index
      %swap3A_65 = tpu.vector_load %arg14[%swap3A_64] {strides = array<i32>} : memref<112xi32, #tpu.memory_space<vmem>>, vector<16xi32>,
      %swap3A_66 = vector.shape_cast %swap3A_65 : vector<16xi32> to vector<16xi32>
      %swap3A_67 = vector.shape_cast %get3A_63 : vector<16xi32> to vector<16xi32>
      tpu.vector_store %arg14[%swap3A_64], %swap3A_67 {strides = array<i32>} : memref<112xi32, #tpu.memory_space<vmem>>, vector<16xi32>,
      %dma_start3A = arith.constant 0 : i32
      %dma_start3A_68 = tpu.memref_slice %arg11[%scan3A_13, %dma_start3A] : memref<28x112xi32, #tpu.memory_space<vmem>> -> memref<1x112xi32, #tpu.memory_space<vmem>>
      %dma_start3A_69 = tpu.memref_squeeze %dma_start3A_68 : memref<1x112xi32, #tpu.memory_space<vmem>> -> memref<112xi32, #tpu.memory_space<vmem>>
      %dma_start3A_70 = arith.constant 0 : i32
      %dma_start3A_71 = tpu.memref_slice %arg4[%dma_start3A_70] : memref<50000xi32, #tpu.memory_space<hbm>> -> memref<50000xi32, #tpu.memory_space<hbm>>
      tpu.enqueue_indirect_dma source(%dma_start3A_71 : memref<50000xi32, #tpu.memory_space<hbm>>) target(%arg13 : memref<112xi32, #tpu.memory_space<vmem>>) offsets(%dma_start3A_69 : memref<112xi32, #tpu.memory_space<vmem>>) semaphore(%arg19 : memref<!tpu.dma_semaphore, #tpu.memory_space<semaphore_mem>>)
      %dma_wait3A = arith.constant 0 : i32
      %dma_wait3A_72 = tpu.memref_slice %arg11[%scan3A_13, %dma_wait3A] : memref<28x112xi32, #tpu.memory_space<vmem>> -> memref<1x112xi32, #tpu.memory_space<vmem>>
      %dma_wait3A_73 = tpu.memref_squeeze %dma_wait3A_72 : memref<1x112xi32, #tpu.memory_space<vmem>> -> memref<112xi32, #tpu.memory_space<vmem>>
      %dma_wait3A_74 = arith.constant 0 : i32
      %dma_wait3A_75 = tpu.memref_slice %arg4[%dma_wait3A_74] : memref<50000xi32, #tpu.memory_space<hbm>> -> memref<50000xi32, #tpu.memory_space<hbm>>
      tpu.wait_indirect_dma semaphore(%arg19 : memref<!tpu.dma_semaphore, #tpu.memory_space<semaphore_mem>>) src(%dma_wait3A_75 : memref<50000xi32, #tpu.memory_space<hbm>>) dst(%arg13 : memref<112xi32, #tpu.memory_space<vmem>>)
      %dma_start3A_76 = arith.constant 0 : i32
      %dma_start3A_77 = arith.constant 0 : i32
      %dma_start3A_78 = tpu.memref_slice %arg2[%dma_start3A_76, %dma_start3A_77] : memref<50000x256xf32, #tpu.memory_space<hbm>> -> memref<50000x256xf32, #tpu.memory_space<hbm>>
      tpu.enqueue_indirect_dma source(%dma_start3A_78 : memref<50000x256xf32, #tpu.memory_space<hbm>>) target(%arg15 : memref<112x256xf32, #tpu.memory_space<vmem>>) offsets(%arg13 : memref<112xi32, #tpu.memory_space<vmem>>) semaphore(%arg19 : memref<!tpu.dma_semaphore, #tpu.memory_space<semaphore_mem>>)
      %dma_wait3A_79 = arith.constant 0 : i32
      %dma_wait3A_80 = arith.constant 0 : i32
      %dma_wait3A_81 = tpu.memref_slice %arg2[%dma_wait3A_79, %dma_wait3A_80] : memref<50000x256xf32, #tpu.memory_space<hbm>> -> memref<50000x256xf32, #tpu.memory_space<hbm>>
      tpu.wait_indirect_dma semaphore(%arg19 : memref<!tpu.dma_semaphore, #tpu.memory_space<semaphore_mem>>) src(%dma_wait3A_81 : memref<50000x256xf32, #tpu.memory_space<hbm>>) dst(%arg15 : memref<112x256xf32, #tpu.memory_space<vmem>>)
      %dma_start3A_82 = arith.constant 0 : i32
      %dma_start3A_83 = arith.constant 0 : i32
      %dma_start3A_84 = tpu.memref_slice %arg3[%dma_start3A_82, %dma_start3A_83] : memref<50000x16xf32, #tpu.memory_space<hbm>> -> memref<50000x16xf32, #tpu.memory_space<hbm>>
      tpu.enqueue_indirect_dma source(%dma_start3A_84 : memref<50000x16xf32, #tpu.memory_space<hbm>>) target(%arg16 : memref<112x16xf32, #tpu.memory_space<vmem>>) offsets(%arg13 : memref<112xi32, #tpu.memory_space<vmem>>) semaphore(%arg19 : memref<!tpu.dma_semaphore, #tpu.memory_space<semaphore_mem>>)
      %dma_wait3A_85 = arith.constant 0 : i32
      %dma_wait3A_86 = arith.constant 0 : i32
      %dma_wait3A_87 = tpu.memref_slice %arg3[%dma_wait3A_85, %dma_wait3A_86] : memref<50000x16xf32, #tpu.memory_space<hbm>> -> memref<50000x16xf32, #tpu.memory_space<hbm>>
      tpu.wait_indirect_dma semaphore(%arg19 : memref<!tpu.dma_semaphore, #tpu.memory_space<semaphore_mem>>) src(%dma_wait3A_87 : memref<50000x16xf32, #tpu.memory_space<hbm>>) dst(%arg16 : memref<112x16xf32, #tpu.memory_space<vmem>>)
      "tpu.region"() ({
        %run_scoped3A = tpu.sem_alloc : memref<!tpu.dma_semaphore, #tpu.memory_space<semaphore_mem>>
        %dma_start3A_88 = arith.constant 0 : i32
        %dma_start3A_89 = arith.constant 0 : i32
        %dma_start3A_90 = tpu.memref_slice %arg17[%dma_start3A_88, %dma_start3A_89] : memref<5120x256xf32, #tpu.memory_space<vmem_shared>> -> memref<5120x256xf32, #tpu.memory_space<vmem_shared>>
        tpu.enqueue_indirect_dma source(%arg15 : memref<112x256xf32, #tpu.memory_space<vmem>>) target(%dma_start3A_90 : memref<5120x256xf32, #tpu.memory_space<vmem_shared>>) offsets(%arg14 : memref<112xi32, #tpu.memory_space<vmem>>) semaphore(%run_scoped3A : memref<!tpu.dma_semaphore, #tpu.memory_space<semaphore_mem>>) {add = true}
        %dma_wait3A_91 = arith.constant 0 : i32
        %dma_wait3A_92 = arith.constant 0 : i32
        %dma_wait3A_93 = tpu.memref_slice %arg17[%dma_wait3A_91, %dma_wait3A_92] : memref<5120x256xf32, #tpu.memory_space<vmem_shared>> -> memref<5120x256xf32, #tpu.memory_space<vmem_shared>>
        tpu.wait_indirect_dma semaphore(%run_scoped3A : memref<!tpu.dma_semaphore, #tpu.memory_space<semaphore_mem>>) src(%arg15 : memref<112x256xf32, #tpu.memory_space<vmem>>) dst(%dma_wait3A_93 : memref<5120x256xf32, #tpu.memory_space<vmem_shared>>)
        tpu.yield
      }) : () -> ()
      "tpu.region"() ({
        %run_scoped3A = tpu.sem_alloc : memref<!tpu.dma_semaphore, #tpu.memory_space<semaphore_mem>>
        %dma_start3A_88 = arith.constant 0 : i32
        %dma_start3A_89 = arith.constant 0 : i32
        %dma_start3A_90 = tpu.memref_slice %arg18[%dma_start3A_88, %dma_start3A_89] : memref<5120x16xf32, #tpu.memory_space<vmem_shared>> -> memref<5120x16xf32, #tpu.memory_space<vmem_shared>>
        tpu.enqueue_indirect_dma source(%arg16 : memref<112x16xf32, #tpu.memory_space<vmem>>) target(%dma_start3A_90 : memref<5120x16xf32, #tpu.memory_space<vmem_shared>>) offsets(%arg14 : memref<112xi32, #tpu.memory_space<vmem>>) semaphore(%run_scoped3A : memref<!tpu.dma_semaphore, #tpu.memory_space<semaphore_mem>>) {add = true}
        %dma_wait3A_91 = arith.constant 0 : i32
        %dma_wait3A_92 = arith.constant 0 : i32
        %dma_wait3A_93 = tpu.memref_slice %arg18[%dma_wait3A_91, %dma_wait3A_92] : memref<5120x16xf32, #tpu.memory_space<vmem_shared>> -> memref<5120x16xf32, #tpu.memory_space<vmem_shared>>
        tpu.wait_indirect_dma semaphore(%run_scoped3A : memref<!tpu.dma_semaphore, #tpu.memory_space<semaphore_mem>>) src(%arg16 : memref<112x16xf32, #tpu.memory_space<vmem>>) dst(%dma_wait3A_93 : memref<5120x16xf32, #tpu.memory_space<vmem_shared>>)
        tpu.yield
      }) : () -> ()
    }
    %scan3A_9 = arith.constant 28 : i32
    %barrier3A_10 = arith.constant 0 : index
    tpu.barrier barrier_id(%barrier3A_10)
    %mul3A_11 = arith.constant 320 : i32
    %mul3A_12 = arith.muli %arg1, %mul3A_11 : i32
    "tpu.region"() ({
      %run_scoped3A = tpu.sem_alloc : memref<!tpu.dma_semaphore, #tpu.memory_space<semaphore_mem>>
      %dma_start3A = arith.constant 0 : i32
      %dma_start3A_13 = tpu.memref_slice %arg9[%arg0, %mul3A_12, %dma_start3A] : memref<2x5120x256xf32, #tpu.memory_space<hbm>> -> memref<1x320x256xf32, #tpu.memory_space<hbm>>
      %dma_start3A_14 = tpu.memref_squeeze %dma_start3A_13 : memref<1x320x256xf32, #tpu.memory_space<hbm>> -> memref<320x256xf32, #tpu.memory_space<hbm>>
      %dma_start3A_15 = arith.constant 0 : i32
      %dma_start3A_16 = tpu.memref_slice %arg17[%mul3A_12, %dma_start3A_15] : memref<5120x256xf32, #tpu.memory_space<vmem_shared>> -> memref<320x256xf32, #tpu.memory_space<vmem_shared>>
      tpu.enqueue_dma source(%dma_start3A_16 : memref<320x256xf32, #tpu.memory_space<vmem_shared>>) target(%dma_start3A_14 : memref<320x256xf32, #tpu.memory_space<hbm>>) target_semaphore(%run_scoped3A : memref<!tpu.dma_semaphore, #tpu.memory_space<semaphore_mem>>)
      %dma_wait3A = arith.constant 0 : i32
      %dma_wait3A_17 = tpu.memref_slice %arg9[%arg0, %mul3A_12, %dma_wait3A] : memref<2x5120x256xf32, #tpu.memory_space<hbm>> -> memref<1x320x256xf32, #tpu.memory_space<hbm>>
      %dma_wait3A_18 = tpu.memref_squeeze %dma_wait3A_17 : memref<1x320x256xf32, #tpu.memory_space<hbm>> -> memref<320x256xf32, #tpu.memory_space<hbm>>
      %dma_wait3A_19 = arith.constant 0 : i32
      %dma_wait3A_20 = tpu.memref_slice %arg17[%mul3A_12, %dma_wait3A_19] : memref<5120x256xf32, #tpu.memory_space<vmem_shared>> -> memref<320x256xf32, #tpu.memory_space<vmem_shared>>
      tpu.wait_dma2 semaphore(%run_scoped3A : memref<!tpu.dma_semaphore, #tpu.memory_space<semaphore_mem>>) src(%dma_wait3A_20 : memref<320x256xf32, #tpu.memory_space<vmem_shared>>) dst(%dma_wait3A_18 : memref<320x256xf32, #tpu.memory_space<hbm>>)
      tpu.yield
    }) : () -> ()
    "tpu.region"() ({
      %run_scoped3A = tpu.sem_alloc : memref<!tpu.dma_semaphore, #tpu.memory_space<semaphore_mem>>
      %dma_start3A = arith.constant 0 : i32
      %dma_start3A_13 = tpu.memref_slice %arg10[%arg0, %mul3A_12, %dma_start3A] : memref<2x5120x16xf32, #tpu.memory_space<hbm>> -> memref<1x320x16xf32, #tpu.memory_space<hbm>>
      %dma_start3A_14 = tpu.memref_squeeze %dma_start3A_13 : memref<1x320x16xf32, #tpu.memory_space<hbm>> -> memref<320x16xf32, #tpu.memory_space<hbm>>
      %dma_start3A_15 = arith.constant 0 : i32
      %dma_start3A_16 = tpu.memref_slice %arg18[%mul3A_12, %dma_start3A_15] : memref<5120x16xf32, #tpu.memory_space<vmem_shared>> -> memref<320x16xf32, #tpu.memory_space<vmem_shared>>
      tpu.enqueue_dma source(%dma_start3A_16 : memref<320x16xf32, #tpu.memory_space<vmem_shared>>) target(%dma_start3A_14 : memref<320x16xf32, #tpu.memory_space<hbm>>) target_semaphore(%run_scoped3A : memref<!tpu.dma_semaphore, #tpu.memory_space<semaphore_mem>>)
      %dma_wait3A = arith.constant 0 : i32
      %dma_wait3A_17 = tpu.memref_slice %arg10[%arg0, %mul3A_12, %dma_wait3A] : memref<2x5120x16xf32, #tpu.memory_space<hbm>> -> memref<1x320x16xf32, #tpu.memory_space<hbm>>
      %dma_wait3A_18 = tpu.memref_squeeze %dma_wait3A_17 : memref<1x320x16xf32, #tpu.memory_space<hbm>> -> memref<320x16xf32, #tpu.memory_space<hbm>>
      %dma_wait3A_19 = arith.constant 0 : i32
      %dma_wait3A_20 = tpu.memref_slice %arg18[%mul3A_12, %dma_wait3A_19] : memref<5120x16xf32, #tpu.memory_space<vmem_shared>> -> memref<320x16xf32, #tpu.memory_space<vmem_shared>>
      tpu.wait_dma2 semaphore(%run_scoped3A : memref<!tpu.dma_semaphore, #tpu.memory_space<semaphore_mem>>) src(%dma_wait3A_20 : memref<320x16xf32, #tpu.memory_space<vmem_shared>>) dst(%dma_wait3A_18 : memref<320x16xf32, #tpu.memory_space<hbm>>)
      tpu.yield
    }) : () -> ()
    return
  }
}

module attributes {stable_mosaic.version = 14 : i64} {
  func.func @body(%arg0: i32, %arg1: memref<1x1xf32, #tpu.memory_space<smem>>, %arg2: memref<1000x256xf32, #tpu.memory_space<vmem>>, %arg3: memref<512x256xf32, #tpu.memory_space<vmem>>, %arg4: memref<1000x256xf32, #tpu.memory_space<vmem>>, %arg5: memref<1000x16xf32, #tpu.memory_space<vmem>>) attributes {dimension_semantics = [#tpu.dimension_semantics<arbitrary>], iteration_bounds = array<i64: 50>, scalar_prefetch = 0 : i64, scratch_operands = 0 : i64, tpu.core_type = #tpu.core_type<tc>, window_params = [{transform_indices = @transform_0, window_bounds = array<i64: 1, 1>}, {transform_indices = @transform_1, window_bounds = array<i64: 1000, 256>}, {transform_indices = @transform_2, window_bounds = array<i64: 512, 256>}, {transform_indices = @transform_3, window_bounds = array<i64: 1000, 256>}, {transform_indices = @transform_4, window_bounds = array<i64: 1000, 16>}]} {
    %get3A = arith.constant 0 : index
    %get3A_0 = arith.constant 0 : index
    %get3A_1 = vector.load %arg2[%get3A, %get3A_0] : memref<1000x256xf32, #tpu.memory_space<vmem>>, vector<1000x256xf32>
    %mul3A = arith.mulf %get3A_1, %get3A_1 : vector<1000x256xf32>
    %reduce_sum3A = arith.constant dense<0.000000e+00> : vector<1000xf32>
    %reduce_sum3A_2 = vector.multi_reduction <add>, %mul3A, %reduce_sum3A [1] : vector<1000x256xf32> to vector<1000xf32>
    %broadcast_in_dim3A = vector.shape_cast %reduce_sum3A_2 : vector<1000xf32> to vector<1000x1xf32>
    %sqrt3A = math.sqrt %broadcast_in_dim3A : vector<1000x1xf32>
    %add3A = arith.constant 9.99999996E-13 : f32
    %add3A_3 = vector.broadcast %add3A : f32 to vector<1000x1xf32>
    %add3A_4 = arith.addf %sqrt3A, %add3A_3 : vector<1000x1xf32>
    %div3A = vector.broadcast %add3A_4 : vector<1000x1xf32> to vector<1000x256xf32>
    %div3A_5 = arith.divf %get3A_1, %div3A : vector<1000x256xf32>
    %swap3A = arith.constant 0 : index
    %swap3A_6 = arith.constant 0 : index
    %swap3A_7 = vector.load %arg4[%swap3A, %swap3A_6] : memref<1000x256xf32, #tpu.memory_space<vmem>>, vector<1000x256xf32>
    tpu.vector_store %arg4[%swap3A, %swap3A_6], %div3A_5 {strides = array<i32>} : memref<1000x256xf32, #tpu.memory_space<vmem>>, vector<1000x256xf32>,
    %get3A_8 = arith.constant 0 : index
    %get3A_9 = arith.constant 0 : index
    %get3A_10 = memref.load %arg1[%get3A_8, %get3A_9] : memref<1x1xf32, #tpu.memory_space<smem>>
    %exp3A = math.exp %get3A_10 : f32
    %get3A_11 = arith.constant 0 : index
    %get3A_12 = arith.constant 0 : index
    %get3A_13 = vector.load %arg3[%get3A_11, %get3A_12] : memref<512x256xf32, #tpu.memory_space<vmem>>, vector<512x256xf32>
    %dot_general3A = arith.constant dense<0.000000e+00> : vector<1000x512xf32>
    %dot_general3A_14 = tpu.matmul %div3A_5, %get3A_13, %dot_general3A {dimension_numbers = #tpu.dot_dimension_numbers<[1], [1], [0], [0], [0, 0, 1, 0], [], []>, transpose_lhs_hint = false} : vector<1000x256xf32>, vector<512x256xf32>, vector<1000x512xf32> -> vector<1000x512xf32>
    %mul3A_15 = vector.broadcast %exp3A : f32 to vector<1000x512xf32>
    %mul3A_16 = arith.mulf %dot_general3A_14, %mul3A_15 : vector<1000x512xf32>
    %reduce_max3A = arith.constant dense<0xFF800000> : vector<1000xf32>
    %reduce_max3A_17 = vector.multi_reduction <maximumf>, %mul3A_16, %reduce_max3A [1] : vector<1000x512xf32> to vector<1000xf32>
    %broadcast_in_dim3A_18 = vector.shape_cast %reduce_max3A_17 : vector<1000xf32> to vector<1000x1xf32>
    %sub3A = vector.broadcast %broadcast_in_dim3A_18 : vector<1000x1xf32> to vector<1000x512xf32>
    %sub3A_19 = arith.subf %mul3A_16, %sub3A : vector<1000x512xf32>
    %exp3A_20 = math.exp %sub3A_19 : vector<1000x512xf32>
    %reduce_sum3A_21 = arith.constant dense<0.000000e+00> : vector<1000xf32>
    %reduce_sum3A_22 = vector.multi_reduction <add>, %exp3A_20, %reduce_sum3A_21 [1] : vector<1000x512xf32> to vector<1000xf32>
    %broadcast_in_dim3A_23 = vector.shape_cast %reduce_sum3A_22 : vector<1000xf32> to vector<1000x1xf32>
    %log3A = math.log %broadcast_in_dim3A_23 : vector<1000x1xf32>
    %add3A_24 = arith.addf %broadcast_in_dim3A_18, %log3A : vector<1000x1xf32>
    %iota3A = tpu.iota {dimensions = array<i32: 1>} : vector<1000x16xi32>
    %eq3A = arith.constant 0 : i32
    %eq3A_25 = vector.broadcast %eq3A : i32 to vector<1000x16xi32>
    %eq3A_26 = arith.cmpi eq, %iota3A, %eq3A_25 : vector<1000x16xi32>
    %eq3A_27 = arith.constant 1 : i32
    %eq3A_28 = vector.broadcast %eq3A_27 : i32 to vector<1000x16xi32>
    %eq3A_29 = arith.cmpi eq, %iota3A, %eq3A_28 : vector<1000x16xi32>
    %jit3A = arith.constant 1.000000e+00 : f32
    %jit3A_30 = arith.constant 0.000000e+00 : f32
    %broadcast_in_dim3A_31 = vector.broadcast %jit3A : f32 to vector<1000x16xf32>
    %broadcast_in_dim3A_32 = vector.broadcast %jit3A_30 : f32 to vector<1000x16xf32>
    %select_n3A = arith.select %eq3A_29, %broadcast_in_dim3A_31, %broadcast_in_dim3A_32 : vector<1000x16xi1>, vector<1000x16xf32>
    %broadcast_in_dim3A_33 = vector.shape_cast %add3A_24 : vector<1000x1xf32> to vector<1000x1xf32>
    %broadcast_in_dim3A_34 = vector.broadcast %broadcast_in_dim3A_33 : vector<1000x1xf32> to vector<1000x16xf32>
    %select_n3A_35 = arith.select %eq3A_26, %broadcast_in_dim3A_34, %select_n3A : vector<1000x16xi1>, vector<1000x16xf32>
    %swap3A_36 = arith.constant 0 : index
    %swap3A_37 = arith.constant 0 : index
    %swap3A_38 = vector.load %arg5[%swap3A_36, %swap3A_37] : memref<1000x16xf32, #tpu.memory_space<vmem>>, vector<1000x16xf32>
    tpu.vector_store %arg5[%swap3A_36, %swap3A_37], %select_n3A_35 {strides = array<i32>} : memref<1000x16xf32, #tpu.memory_space<vmem>>, vector<1000x16xf32>,
    return
  }
  func.func @transform_0(%arg0: i32) -> (i32, i32) {
    %mul3A = arith.constant 0 : i32
    %mul3A_0 = arith.muli %arg0, %mul3A : i32
    %mul3A_1 = arith.constant 0 : i32
    %mul3A_2 = arith.muli %arg0, %mul3A_1 : i32
    %c0_i32 = arith.constant 0 : i32
    return %mul3A_0, %mul3A_2 : i32, i32
  }
  func.func @transform_1(%arg0: i32) -> (i32, i32) {
    %mul3A = arith.constant 0 : i32
    %mul3A_0 = arith.muli %arg0, %mul3A : i32
    %c0_i32 = arith.constant 0 : i32
    return %arg0, %mul3A_0 : i32, i32
  }
  func.func @transform_2(%arg0: i32) -> (i32, i32) {
    %mul3A = arith.constant 0 : i32
    %mul3A_0 = arith.muli %arg0, %mul3A : i32
    %mul3A_1 = arith.constant 0 : i32
    %mul3A_2 = arith.muli %arg0, %mul3A_1 : i32
    %c0_i32 = arith.constant 0 : i32
    return %mul3A_0, %mul3A_2 : i32, i32
  }
  func.func @transform_3(%arg0: i32) -> (i32, i32) {
    %mul3A = arith.constant 0 : i32
    %mul3A_0 = arith.muli %arg0, %mul3A : i32
    %c0_i32 = arith.constant 0 : i32
    return %arg0, %mul3A_0 : i32, i32
  }
  func.func @transform_4(%arg0: i32) -> (i32, i32) {
    %mul3A = arith.constant 0 : i32
    %mul3A_0 = arith.muli %arg0, %mul3A : i32
    %c0_i32 = arith.constant 0 : i32
    return %arg0, %mul3A_0 : i32, i32
  }
}

module attributes {stable_mosaic.version = 14 : i64} {
  func.func @body(%arg0: i32, %arg1: memref<1x1xf32, #tpu.memory_space<smem>>, %arg2: memref<1000x256xf32, #tpu.memory_space<vmem>>, %arg3: memref<1000x256xf32, #tpu.memory_space<vmem>>, %arg4: memref<1000x16xf32, #tpu.memory_space<vmem>>, %arg5: memref<1000x16xf32, #tpu.memory_space<vmem>>, %arg6: memref<512x256xf32, #tpu.memory_space<vmem>>, %arg7: memref<1000x512xf32, #tpu.memory_space<vmem>>, %arg8: memref<1000x8xf32, #tpu.memory_space<vmem>>) attributes {dimension_semantics = [#tpu.dimension_semantics<arbitrary>], iteration_bounds = array<i64: 5>, scalar_prefetch = 0 : i64, scratch_operands = 0 : i64, tpu.core_type = #tpu.core_type<tc>, window_params = [{transform_indices = @transform_0, window_bounds = array<i64: 1, 1>}, {transform_indices = @transform_1, window_bounds = array<i64: 1000, 256>}, {transform_indices = @transform_2, window_bounds = array<i64: 1000, 256>}, {transform_indices = @transform_3, window_bounds = array<i64: 1000, 16>}, {transform_indices = @transform_4, window_bounds = array<i64: 1000, 16>}, {transform_indices = @transform_5, window_bounds = array<i64: 512, 256>}, {transform_indices = @transform_6, window_bounds = array<i64: 1000, 512>}, {transform_indices = @transform_7, window_bounds = array<i64: 1000, 8>}]} {
    %get3A = arith.constant 0 : index
    %get3A_0 = arith.constant 0 : index
    %get3A_1 = vector.load %arg2[%get3A, %get3A_0] : memref<1000x256xf32, #tpu.memory_space<vmem>>, vector<1000x256xf32>
    %get3A_2 = arith.constant 0 : index
    %get3A_3 = arith.constant 0 : index
    %get3A_4 = vector.load %arg3[%get3A_2, %get3A_3] : memref<1000x256xf32, #tpu.memory_space<vmem>>, vector<1000x256xf32>
    %add3A = arith.addf %get3A_1, %get3A_4 : vector<1000x256xf32>
    %get3A_5 = arith.constant 0 : index
    %get3A_6 = arith.constant 0 : index
    %get3A_7 = vector.load %arg4[%get3A_5, %get3A_6] : memref<1000x16xf32, #tpu.memory_space<vmem>>, vector<1000x16xf32>
    %get3A_8 = arith.constant 0 : index
    %get3A_9 = arith.constant 0 : index
    %get3A_10 = vector.load %arg5[%get3A_8, %get3A_9] : memref<1000x16xf32, #tpu.memory_space<vmem>>, vector<1000x16xf32>
    %add3A_11 = arith.addf %get3A_7, %get3A_10 : vector<1000x16xf32>
    %slice3A = vector.extract_strided_slice %add3A_11 {offsets = [0, 0], sizes = [1000, 1], strides = [1, 1]} : vector<1000x16xf32> to vector<1000x1xf32>
    %slice3A_12 = vector.extract_strided_slice %add3A_11 {offsets = [0, 1], sizes = [1000, 1], strides = [1, 1]} : vector<1000x16xf32> to vector<1000x1xf32>
    %get3A_13 = arith.constant 0 : index
    %get3A_14 = arith.constant 0 : index
    %get3A_15 = memref.load %arg1[%get3A_13, %get3A_14] : memref<1x1xf32, #tpu.memory_space<smem>>
    %exp3A = math.exp %get3A_15 : f32
    %get3A_16 = arith.constant 0 : index
    %get3A_17 = arith.constant 0 : index
    %get3A_18 = vector.load %arg6[%get3A_16, %get3A_17] : memref<512x256xf32, #tpu.memory_space<vmem>>, vector<512x256xf32>
    %dot_general3A = arith.constant dense<0.000000e+00> : vector<1000x512xf32>
    %dot_general3A_19 = tpu.matmul %add3A, %get3A_18, %dot_general3A {dimension_numbers = #tpu.dot_dimension_numbers<[1], [1], [0], [0], [0, 0, 1, 0], [], []>, transpose_lhs_hint = false} : vector<1000x256xf32>, vector<512x256xf32>, vector<1000x512xf32> -> vector<1000x512xf32>
    %mul3A = vector.broadcast %exp3A : f32 to vector<1000x512xf32>
    %mul3A_20 = arith.mulf %dot_general3A_19, %mul3A : vector<1000x512xf32>
    %gt3A = arith.constant 0.000000e+00 : f32
    %gt3A_21 = vector.broadcast %gt3A : f32 to vector<1000x1xf32>
    %gt3A_22 = arith.cmpf ogt, %slice3A_12, %gt3A_21 : vector<1000x1xf32>
    %max3A = arith.constant 1.000000e+00 : f32
    %max3A_23 = vector.broadcast %max3A : f32 to vector<1000x1xf32>
    %max3A_24 = arith.maximumf %slice3A_12, %max3A_23 : vector<1000x1xf32>
    %div3A = arith.constant 1.000000e+00 : f32
    %div3A_25 = vector.broadcast %div3A : f32 to vector<1000x1xf32>
    %div3A_26 = arith.divf %div3A_25, %max3A_24 : vector<1000x1xf32>
    %jit3A = arith.constant 0.000000e+00 : f32
    %broadcast_in_dim3A = vector.broadcast %jit3A : f32 to vector<1000x1xf32>
    %select_n3A = arith.select %gt3A_22, %div3A_26, %broadcast_in_dim3A : vector<1000x1xi1>, vector<1000x1xf32>
    %sub3A = vector.broadcast %slice3A : vector<1000x1xf32> to vector<1000x512xf32>
    %sub3A_27 = arith.subf %mul3A_20, %sub3A : vector<1000x512xf32>
    %mul3A_28 = vector.broadcast %select_n3A : vector<1000x1xf32> to vector<1000x512xf32>
    %mul3A_29 = arith.mulf %sub3A_27, %mul3A_28 : vector<1000x512xf32>
    %swap3A = arith.constant 0 : index
    %swap3A_30 = arith.constant 0 : index
    %swap3A_31 = vector.load %arg7[%swap3A, %swap3A_30] : memref<1000x512xf32, #tpu.memory_space<vmem>>, vector<1000x512xf32>
    tpu.vector_store %arg7[%swap3A, %swap3A_30], %mul3A_29 {strides = array<i32>} : memref<1000x512xf32, #tpu.memory_space<vmem>>, vector<1000x512xf32>,
    %broadcast_in_dim3A_32 = vector.shape_cast %slice3A_12 : vector<1000x1xf32> to vector<1000x1xf32>
    %broadcast_in_dim3A_33 = vector.broadcast %broadcast_in_dim3A_32 : vector<1000x1xf32> to vector<1000x8xf32>
    %swap3A_34 = arith.constant 0 : index
    %swap3A_35 = arith.constant 0 : index
    %swap3A_36 = vector.load %arg8[%swap3A_34, %swap3A_35] : memref<1000x8xf32, #tpu.memory_space<vmem>>, vector<1000x8xf32>
    tpu.vector_store %arg8[%swap3A_34, %swap3A_35], %broadcast_in_dim3A_33 {strides = array<i32>} : memref<1000x8xf32, #tpu.memory_space<vmem>>, vector<1000x8xf32>,
    return
  }
  func.func @transform_0(%arg0: i32) -> (i32, i32) {
    %mul3A = arith.constant 0 : i32
    %mul3A_0 = arith.muli %arg0, %mul3A : i32
    %mul3A_1 = arith.constant 0 : i32
    %mul3A_2 = arith.muli %arg0, %mul3A_1 : i32
    %c0_i32 = arith.constant 0 : i32
    return %mul3A_0, %mul3A_2 : i32, i32
  }
  func.func @transform_1(%arg0: i32) -> (i32, i32) {
    %mul3A = arith.constant 0 : i32
    %mul3A_0 = arith.muli %arg0, %mul3A : i32
    %c0_i32 = arith.constant 0 : i32
    return %arg0, %mul3A_0 : i32, i32
  }
  func.func @transform_2(%arg0: i32) -> (i32, i32) {
    %mul3A = arith.constant 0 : i32
    %mul3A_0 = arith.muli %arg0, %mul3A : i32
    %c0_i32 = arith.constant 0 : i32
    return %arg0, %mul3A_0 : i32, i32
  }
  func.func @transform_3(%arg0: i32) -> (i32, i32) {
    %mul3A = arith.constant 0 : i32
    %mul3A_0 = arith.muli %arg0, %mul3A : i32
    %c0_i32 = arith.constant 0 : i32
    return %arg0, %mul3A_0 : i32, i32
  }
  func.func @transform_4(%arg0: i32) -> (i32, i32) {
    %mul3A = arith.constant 0 : i32
    %mul3A_0 = arith.muli %arg0, %mul3A : i32
    %c0_i32 = arith.constant 0 : i32
    return %arg0, %mul3A_0 : i32, i32
  }
  func.func @transform_5(%arg0: i32) -> (i32, i32) {
    %mul3A = arith.constant 0 : i32
    %mul3A_0 = arith.muli %arg0, %mul3A : i32
    %mul3A_1 = arith.constant 0 : i32
    %mul3A_2 = arith.muli %arg0, %mul3A_1 : i32
    %c0_i32 = arith.constant 0 : i32
    return %mul3A_0, %mul3A_2 : i32, i32
  }
  func.func @transform_6(%arg0: i32) -> (i32, i32) {
    %mul3A = arith.constant 0 : i32
    %mul3A_0 = arith.muli %arg0, %mul3A : i32
    %c0_i32 = arith.constant 0 : i32
    return %arg0, %mul3A_0 : i32, i32
  }
  func.func @transform_7(%arg0: i32) -> (i32, i32) {
    %mul3A = arith.constant 0 : i32
    %mul3A_0 = arith.muli %arg0, %mul3A : i32
    %c0_i32 = arith.constant 0 : i32
    return %arg0, %mul3A_0 : i32, i32
  }
}

</mosaic_0001>

<sc_bundles>
// kernel: kernel.5.cloned.1.call-start
scs
__scs_entry_jumppad:
0x0: {  	(pc) =	sbr.rel $0x88, $3  }
0x1: {  	(tag) =	ssettag $0x0;
	lr =	simm.s32 $0x1  }
0x2: {  	[smem:$0x3F9B] =	sst lr;
	_ =	strace $0xD0000000  }
0x3: {  	_ = 	snop  }
0x4: {  	_ = 	snop  }
0x5: {  	_ = 	snop  }
0x6: {  	_ = 	snop  }
0x7: {  	_ = 	snop  }
__scs_overlays_trampoline_lowered:
0x8: {  	[smem:$0x3FAA] =	sst s0  }
0x9: {  	[smem:$0x3FAB] =	sst s1  }
0xa: {  	[smem:$0x3FAC] =	sst s2  }
0xb: {  	[smem:$0x3FAD] =	sst s3  }
0xc: {  	[smem:$0x3FAE] =	sst s4  }
0xd: {  	[smem:$0x3FAF] =	sst s5  }
0xe: {  	[smem:$0x3FB0] =	sst s6  }
0xf: {  	[smem:$0x3FB1] =	sst s7  }
0x10: {  	[smem:$0x3FB2] =	sst s8  }
0x11: {  	[smem:$0x3FB3] =	sst s9;
	s0 =	simm.s32 @!p0 $0x0  }
0x12: {  	s1 =	sld [smem:$0x3F99];
	s0 =	simm.s32 @p0 $0x1  }
0x13: {  	[smem:$0x3FB4] =	sst s0;
	s0 =	simm.s32 @!p1 $0x0  }
0x14: {  	s2 =	sld [smem:$0x3F98];
	s0 =	simm.s32 @p1 $0x1  }
0x15: {  	[smem:$0x3FB5] =	sst s0;
	s0 =	simm.s32 @!p2 $0x0  }
0x16: {  	s3 =	sld [smem:$0x3FDB];
	s0 =	simm.s32 @p2 $0x1  }
0x17: {  	s4 =	simm.s32 $0x1BF5;
	[smem:$0x3FB7] =	sst s0  }
0x18: {  	s0 =	sld [smem:$0x3F9A];
	_ =	swait.ge [sflag:s4], $0x0  }
0x19: {  	s7 =	sld [smem:$0x3F9B]  }
0x1a: {  	s8 =	sadd.s32 $0xFFFFE003, lr  }
0x1b: {  	s9 =	sadd.s32 $0xFFFFFEF7, lr;
	s5 =	simm.s32 $0xFFFFFFFF;
	p2 =	slt.u32 s8, $0xFFFFF086  }
0x1c: {  	p1 =	slt.u32 s9, $0xF7A;
	s5 =	simm.s32 @!p2 $0x0  }
0x1d: {  	s5 =	simm.s32 @p1 $0x1;
	p0 =	seq.s32 s7, s2  }
0x1e: {  	s7 =	smul.u32 @!p0 $0xF7A, s2;
	p2 =	seq.s32 @!p0 s5, $0x0  }
0x1f: {  	s9 =	smul.u32 $0xF7A, s1;
	s8 =	simm.s32 @!p0 $0x1BF5;
	p2 =	por !p2, p0  }
0x20: {  	[sflag:s8] =	ssyncset.s32 @!p0 $0xFFFFF086;
	s6 =	sadd.s32 @!p0 s3, s7;
	s7 =	simm.s32 @!p0 $0x108  }
0x21: {  	s3 =	sadd.s32 s3, s9;
	s6 =	sadd.s32 @!p0 $0x88, s6;
	s7 =	simm.s32 @p2 $0x1082  }
0x22: {  	[simem:s7], [sflag:s8] =	dma.local @!p0 [hbm:s6], $0xF7A  }
0x23: {  	s9 =	sor.u32 $0xD0000000, s2;
	s6 =	simm.s32 $0x108;
	_ =	swait.ge @!p0 [sflag:s8], $0x0  }
0x24: {  	s3 =	sadd.s32 $0x88, s3;
	s6 =	simm.s32 @!p1 $0x1082;
	[sflag:s4] =	ssyncset.s32 $0xFFFFF086  }
0x25: {  	[simem:s6], [sflag:s4] =	dma.local [hbm:s3], $0xF7A  }
0x26: {  	[smem:$0x3F9B] =	sst s1;
	(tag) =	ssettag s2;
	_ =	strace s9  }
0x27: {  	s1 =	sld [smem:$0x3FAB]  }
0x28: {  	s2 =	sld [smem:$0x3FAC]  }
0x29: {  	s4 =	sld [smem:$0x3FAE]  }
0x2a: {  	p0 =	seq.s32 s5, $0x0;
	s5 =	sld [smem:$0x3FAF]  }
0x2b: {  	s6 =	sld [smem:$0x3FB0]  }
0x2c: {  	s7 =	sld [smem:$0x3FB1]  }
0x2d: {  	s3 =	simm.s32 $0x108;
	s8 =	sld [smem:$0x3FB2]  }
0x2e: {  	s3 =	simm.s32 @!p0 $0x1082;
	s9 =	sld [smem:$0x3FB3]  }
0x2f: {  	lr =	sadd.s32 s0, s3;
	s0 =	sld [smem:$0x3FAA]  }
0x30: {  	s3 =	sld [smem:$0x3FAD]  }
0x31: {  	[smem:$0x3FB6] =	sst s10  }
0x32: {  	s10 =	sld [smem:$0x3FB4];
	_ =	sdelay $0x3  }
0x33: {  	p0 =	seq.s32 s10, $0x1;
	s10 =	sld [smem:$0x3FB6];
	_ =	sdelay $0x3  }
0x34: {  	[smem:$0x3FB6] =	sst s10  }
0x35: {  	s10 =	sld [smem:$0x3FB5];
	_ =	sdelay $0x3  }
0x36: {  	p1 =	seq.s32 s10, $0x1;
	s10 =	sld [smem:$0x3FB6];
	_ =	sdelay $0x3  }
0x37: {  	[smem:$0x3FB6] =	sst s10  }
0x38: {  	s10 =	sld [smem:$0x3FB7]  }
0x39: {  	_ = 	snop;
	(pc) =	sbr.ind lr, $3  }
0x3a: {  	_ = 	snop  }
0x3b: {  	_ = 	snop  }
0x3c: {  	p2 =	seq.s32 s10, $0x1;
	s10 =	sld [smem:$0x3FB6]  }
0x3d: {  	_ =	shalt  }
0x3e: {  	_ =	shalt  }
0x3f: {  	_ =	shalt  }
0x40: {  	_ =	shalt  }
0x41: {  	_ =	shalt  }
0x42: {  	_ =	shalt  }
0x43: {  	_ =	shalt  }
0x44: {  	_ =	shalt  }
0x45: {  	_ =	shalt  }
0x46: {  	_ =	shalt  }
0x47: {  	_ =	shalt  }
0x48: {  	_ =	shalt  }
0x49: {  	_ =	shalt  }
0x4a: {  	_ =	shalt  }
0x4b: {  	_ =	shalt  }
0x4c: {  	_ =	shalt  }
0x4d: {  	_ =	shalt  }
0x4e: {  	_ =	shalt  }
0x4f: {  	_ =	shalt  }
0x50: {  	_ =	shalt  }
0x51: {  	_ =	shalt  }
0x52: {  	_ =	shalt  }
0x53: {  	_ =	shalt  }
0x54: {  	_ =	shalt  }
0x55: {  	_ =	shalt  }
0x56: {  	_ =	shalt  }
0x57: {  	_ =	shalt  }
0x58: {  	_ =	shalt  }
0x59: {  	_ =	shalt  }
0x5a: {  	_ =	shalt  }
0x5b: {  	_ =	shalt  }
0x5c: {  	_ =	shalt  }
0x5d: {  	_ =	shalt  }
0x5e: {  	_ =	shalt  }
0x5f: {  	_ =	shalt  }
0x60: {  	_ =	shalt  }
0x61: {  	_ =	shalt  }
0x62: {  	_ =	shalt  }
0x63: {  	_ =	shalt  }
0x64: {  	_ =	shalt  }
0x65: {  	_ =	shalt  }
0x66: {  	_ =	shalt  }
0x67: {  	_ =	shalt  }
0x68: {  	_ =	shalt  }
0x69: {  	_ =	shalt  }
0x6a: {  	_ =	shalt  }
0x6b: {  	_ =	shalt  }
0x6c: {  	_ =	shalt  }
0x6d: {  	_ =	shalt  }
0x6e: {  	_ =	shalt  }
0x6f: {  	_ =	shalt  }
0x70: {  	_ =	shalt  }
0x71: {  	_ =	shalt  }
0x72: {  	_ =	shalt  }
0x73: {  	_ =	shalt  }
0x74: {  	_ =	shalt  }
0x75: {  	_ =	shalt  }
0x76: {  	_ =	shalt  }
0x77: {  	_ =	shalt  }
0x78: {  	_ =	shalt  }
0x79: {  	_ =	shalt  }
0x7a: {  	_ =	shalt  }
0x7b: {  	_ =	shalt  }
0x7c: {  	_ =	shalt  }
0x7d: {  	_ =	shalt  }
0x7e: {  	_ =	shalt  }
0x7f: {  	_ =	shalt  }
0x80: {  	_ =	shalt  }
0x81: {  	_ =	shalt  }
0x82: {  	_ =	shalt  }
0x83: {  	_ =	shalt  }
0x84: {  	_ =	shalt  }
0x85: {  	_ =	shalt  }
0x86: {  	_ =	shalt  }
0x87: {  	_ =	shalt  }
.Lfunc_end0:
.L_simem_size_0:
called_computation.1_lowered:
.L_overlay_start_0:
0x88: {  	s2 =	sld [smem:$0x3FD9]  }
0x89: {  	s3 =	sld [smem:$0x3FFE];
	_ =	sdelay $0x1  }
0x8a: {  	s1 =	srdreg.scid  }
0x8b: {  	s0 =	sand.u32 $0x1, s1  }
0x8c: {  	s14 =	sshll.u32 s0, $0xA;
	s2 =	sadd.s32 s3, s2  }
0x8d: {  	s2 =	sadd.s32 s2, s14  }
0x8e: {  	[smem:$0x3FC2] =	sst s2  }
0x8f: {  	_ = 	snop  }
0x90: {  	s2 =	sld [smem:$0x3FD0];
	_ =	sdelay $0x2  }
0x91: {  	s15 =	simm.s32 $0xA;
	s4 =	simm.s32 $0x10  }
0x92: {  	[smem:s4], [sflag:s15] =	dma.local [hbm:s2], $0x1  }
0x93: {  	_ =	swait.eq [sflag:s15], $0x1  }
0x94: {  	[sflag:s15] =	ssyncset.done $0x0  }
0x95: {  	s16 =	sld [smem:$0x10];
	[sflag:s15] =	ssyncadd.s32 $0xFFFFFFFF  }
0x96: {  	s17 =	sld [smem:$0x11];
	(tm) =	ssettm $0x1  }
0x97: {  	s18 =	sld [smem:$0x3FFB];
	_ =	sdelay $0x3  }
0x98: {  	_ =	strace s18  }
0x99: {  	s4 =	sld [smem:$0x3FFC];
	_ =	sdelay $0x3  }
0x9a: {  	_ =	strace s4  }
0x9b: {  	s4 =	sld [smem:$0x3FFD];
	_ =	sdelay $0x3  }
0x9c: {  	_ =	strace s4  }
0x9d: {  	_ =	strace $0x8FFFFFFF  }
0x9e: {  	s19 =	sld [smem:$0x3FDB];
	_ =	sdelay $0x1  }
0x9f: {  	s5 =	simm.s32 $_scs_section_size  }
0xa0: {  	s6 =	simm.s32 $_size__tile_overlayer_lowered;
	s7 =	simm.s32 $_tile_overlayer_lowered  }
0xa1: {  	s22 =	simm.s32 $0x1BFF;
	s21 =	sshll.u32 s7, $0x1;
	s4 =	sadd.s32 s5, s19  }
0xa2: {  	s8 =	simm.s32 $0x0;
	s20 =	sshll.u32 s6, $0x1;
	s6 =	sadd.s32 s21, s4  }
0xa3: {  	[timem:s8], [sflag:s22] =	dma.local [hbm:s6], s20  }
0xa4: {  	_ =	swait.ge [sflag:s22], s20  }
0xa5: {  	s5 =	ssub.s32 $0x0, s20;
	[sflag:s22] =	ssyncset.done $0x0  }
0xa6: {  	[sflag:s22] =	ssyncadd.s32 s5;
	_ =	sdelay $0x1  }
0xa7: {  	s23 =	simm.s32 $0x1B8B  }
0xa8: {  	_ =	swait.ge [sflag:s23], $0x1  }
0xa9: {  	[sflag:s23] =	ssyncset.done $0x0  }
0xaa: {  	s25 =	simm.s32 $0x1B8E;
	s24 =	sld [smem:$0x3FFE];
	[sflag:s23] =	ssyncadd.s32 $0xFFFFFFFF  }
0xab: {  	s26 =	simm.s32 $execute0_lowered;
	[smem:$0x3FD2] =	sst s25  }
0xac: {  	s6 =	sshll.u32 s26, $0x1;
	_ =	strace $0x80000049;
	[dreg:$0x1] =	wrdreg $0xFFFFFFFF  }
0xad: {  	s28 =	simm.s32 $_size_execute0_lowered;
	s4 =	sadd.s32 s4, s6;
	[dreg:$0x0] =	wrdreg $0x0  }
0xae: {  	s6 =	sshll.u32 s28, $0x1;
	[dreg:$0x2] =	wrdreg s4  }
0xaf: {  	[dreg:$0x3] =	wrdreg s6  }
0xb0: {  	[dreg:$0x4] =	wrdreg $0xC0  }
0xb1: {  	_ =	task [dreg:s8], $0x5FFFF  }
0xb2: {  	[dreg:$0x1] =	wrdreg $0xFFFFFFFF  }
0xb3: {  	[dreg:$0x0] =	wrdreg $0x60  }
0xb4: {  	[dreg:$0x2] =	wrdreg s24  }
0xb5: {  	[dreg:$0x3] =	wrdreg s16  }
0xb6: {  	[dreg:$0x4] =	wrdreg s17  }
0xb7: {  	[dreg:$0x5] =	wrdreg $0x90600  }
0xb8: {  	[dreg:$0x6] =	wrdreg $0x1D0600  }
0xb9: {  	[dreg:$0x7] =	wrdreg $0x9  }
0xba: {  	_ =	task.clear_ibuf [dreg:s8], $0x8FFFF;
	_ =	strace $0x90000049  }
0xbb: {  	s29 =	simm.s32 $0x9;
	_ =	strace $0x8000004B  }
0xbc: {  	_ =	swait.ge [sflag:s29], $0x1  }
0xbd: {  	[sflag:s29] =	ssyncadd.s32 $0xFFFFFFFF  }
0xbe: {  	_ =	strace $0x9000004B  }
0xbf: {  	_ =	sfence  }
0xc0: {  	s30 =	sld [smem:$0x0];
	_ =	sdelay $0x2  }
0xc1: {  	s31 =	sshll.u32 s1, $0xD;
	s1 =	sshrl.u32 s1, $0x2  }
0xc2: {  	s3 =	sand.u32 $0x4000, s31;
	s1 =	sadd.s32 s1, s30  }
0xc3: {  	s0 =	sor.u32 s3, s0;
	s1 =	sshll.u32 s1, $0x11  }
0xc4: {  	s0 =	sor.u32 s1, s0  }
0xc5: {  	s0 =	sadd.s32 $0x8F2B, s0  }
0xc6: {  	[sflag:s0] =	ssyncadd.remote.s32 $0x1  }
0xc7: {  	_ =	sfence.sel $0xFFFF  }
0xc8: {  	[dreg:$0x0] =	wrdreg $0xFFFFFFFF;
	(pc) =	sbr.abs _section_cstart, $3  }
0xc9: {  	[dreg:$0x1] =	wrdreg $0xFFFFFFFF  }
0xca: {  	_ =	task.clear_ibuf [dreg:s8], $0x2FFFF;
	_ =	strace $0x9FFFFFFF  }
0xcb: {  	(tm) =	ssettm $0x7FFFFFFF  }
tec
execute0_lowered:
.L_overlay_start_1:
0x0: {  	(tag) =	ssettag $0x1  }
0x1: {  	s10 =	rddreg [dreg:$0x0]  }
0x2: {  	s1 =	rddreg [dreg:$0x1]  }
0x3: {  	s3 =	rddreg [dreg:$0x2]  }
0x4: {  	s4 =	rddreg [dreg:$0x3]  }
0x5: {  	s0 =	srdreg.scid;
	s5 =	rddreg [dreg:$0x4];
	s6 =	simm.s32 $0x0  }
0x6: {  	s20 =	simm.s32 $0x70;
	s21 =	simm.s32 $0x1880;
	s22 =	simm.s32 $0x1  }
0x7: {  	s23 =	simm.s32 $0x1960;
	s11 =	sand.u32 $0x1, s0;
	s0 =	stileid.u32  }
0x8: {  	s24 =	simm.s32 $0x8960;
	s25 =	simm.s32 $0x18F0;
	s12 =	smul.u32 $0x14000, s0  }
0x9: {  	s26 =	simm.s32 $0x0;
	[smem:$0x7FF] =	sst s6;
	s13 =	smul.u32 $0x140000, s11  }
0xa: {  	s7 =	sadd.s32 $0x24D200, s10;
	s8 =	sadd.s32 $0x3200, s10;
	s14 =	smul.u32 $0x1400, s0  }
0xb: {  	s2 =	sshll.u32 s11, $0x4;
	s15 =	smul.u32 $0x14000, s11;
	s11 =	ssub.s32 $0x2, s11  }
0xc: {  	s31 =	sshll.u32 s0, $0x6;
	s2 =	sor.u32 s0, s2;
	s30 =	sshrl.u32 s11, $0x1  }
0xd: {  	s9 =	smul.u32 $0x188, s2;
	s2 =	rddreg [dreg:$0x5];
	_ =	strace $0x8000004A  }
0xe: {  	s13 =	sadd.s32 s12, s13;
	s15 =	sadd.s32 s14, s15;
	s17 =	ssub.s32 s11, s30  }
0xf: {  	s18 =	sadd.s32 s12, s4;
	s19 =	sadd.s32 s14, s5;
	s13 =	sshrl.u32 s13, $0x3  }
0x10: {  	s15 =	sshrl.u32 s15, $0x3;
	s16 =	sadd.s32 s9, s10;
	s9 =	sadd.s32 $0xB000, s10  }
0x11: {  	s13 =	sadd.s32 s13, s10;
	s15 =	sadd.s32 s15, s10;
	s10 =	sor.u32 $0x1C02, s31  }
0x12: {  	s11 =	sadd.s32 $0x7E00, s16;
	s12 =	sadd.s32 $0x4C00, s16;
	s13 =	sadd.s32 $0xD800, s13  }
0x13: {  	s14 =	sadd.s32 $0x5D800, s15;
	s15 =	smax.u32 s17, $0x1;
	s16 =	sshrl.u32 s18, $0x3  }
0x14: {  	s17 =	simm.s32 $0x2;
	s18 =	sshrl.u32 s19, $0x3;
	s19 =	simm.s32 $0xC40  }
.LBB2_1:
0x15: {  	[spmem:s16], [sflag:s10] =	dma.local [hbm:s9], $0x2800  }
0x16: {  	_ =	swait.ge [sflag:s17], $0x2800  }
0x17: {  	[sflag:s17] =	ssyncset.done $0x0  }
0x18: {  	[sflag:s17] =	ssyncadd.s32 $0xFFFFD800  }
0x19: {  	[spmem:s18], [sflag:s10] =	dma.local [hbm:s3], $0x280  }
0x1a: {  	_ =	swait.ge [sflag:s17], $0x280  }
0x1b: {  	[sflag:s17] =	ssyncset.done $0x0  }
0x1c: {  	[sflag:s17] =	ssyncadd.s32 $0xFFFFFD80  }
0x1d: {  	[tilespmem:s6], [sflag:$0x2] =	stream.linear.gather [hbm4b:s11+s6], $0xC40, $0x38;
	[tilespmem:$0x1E460] =	vst v63  }
0x1e: {  	_ =	swait.ge [sflag:s17], $0xC40  }
0x1f: {  	[sflag:s17] =	ssyncset.done $0x0  }
0x20: {  	[sflag:s17] =	ssyncadd.s32 $0xFFFFF3C0  }
0x21: {  	[tilespmem:s19], [sflag:$0x2] =	stream.linear.gather [hbm4b:s12+s6], $0xC40, $0x38;
	[tilespmem:$0x1E460] =	vst v63  }
0x22: {  	_ =	swait.ge [sflag:s17], $0xC40  }
0x23: {  	[sflag:s17] =	ssyncset.done $0x0  }
0x24: {  	[sflag:s17] =	ssyncadd.s32 $0xFFFFF3C0  }
0x25: {  	s28 =	simm.s32 $0x0;
	[bflag:$0x0] =	sbarrier.arrive $0xFFFF  }
0x26: {  	v0 =	vld [tilespmem:s28+$0xC40];
	_ =	sdelay $0x4  }
0x27: {  	[tilespmem:$0x18F0] =	vst v0  }
0x28: {  	v0 =	vld [tilespmem:s28+$0xC50];
	_ =	sdelay $0x4  }
0x29: {  	[tilespmem:$0x1900] =	vst v0  }
0x2a: {  	v0 =	vld [tilespmem:s28+$0xC60];
	_ =	sdelay $0x4  }
0x2b: {  	[tilespmem:$0x1910] =	vst v0  }
0x2c: {  	v0 =	vld [tilespmem:s28+$0xC70];
	_ =	sdelay $0x4  }
0x2d: {  	[tilespmem:$0x1920] =	vst v0  }
0x2e: {  	v0 =	vld [tilespmem:s28+$0xC80];
	_ =	sdelay $0x4  }
0x2f: {  	[tilespmem:$0x1930] =	vst v0  }
0x30: {  	v0 =	vld [tilespmem:s28+$0xC90];
	_ =	sdelay $0x4  }
0x31: {  	[tilespmem:$0x1940] =	vst v0  }
0x32: {  	v0 =	vld [tilespmem:s28+$0xCA0];
	_ =	sdelay $0x4  }
0x33: {  	[tilespmem:$0x1950] =	vst v0  }
0x34: {  	[tilespmem:s21], [sflag:$0x1] =	stream.indirect.gather [hbm4b:s8+s20], $0x1, s28, s20, $0xb8;
	[tilespmem:$0x1E460] =	vst v63  }
0x35: {  	_ =	swait.ge [sflag:s22], $0x70  }
0x36: {  	[sflag:s22] =	ssyncset.done $0x0  }
0x37: {  	[sflag:s22] =	ssyncadd.s32 $0xFFFFFF90  }
0x38: {  	[tilespmem:s23], [sflag:$0x1] =	stream.indirect.gather [hbm4b:s7+s20], $0x100, s21, s20, $0xb8;
	[tilespmem:$0x1E460] =	vst v63  }
0x39: {  	_ =	swait.ge [sflag:s22], $0x7000  }
0x3a: {  	[sflag:s22] =	ssyncset.done $0x0  }
0x3b: {  	[sflag:s22] =	ssyncadd.s32 $0xFFFF9000  }
0x3c: {  	[tilespmem:s24], [sflag:$0x1] =	stream.indirect.gather [hbm4b:s1+s20], $0x10, s21, s20, $0xb8;
	[tilespmem:$0x1E460] =	vst v63  }
0x3d: {  	_ =	swait.ge [sflag:s22], $0x700  }
0x3e: {  	[sflag:s22] =	ssyncset.done $0x0  }
0x3f: {  	[sflag:s22] =	ssyncadd.s32 $0xFFFFF900  }
0x40: {  	[spmem:s4] =	stream.indirect.scatter.add.f32 [tilespmem:s23], [sflag:$0x2], $0x100, s25, s20, $0xb8;
	[tilespmem:$0x1E460] =	vst v63  }
0x41: {  	_ =	swait.ge [sflag:s17], $0x7000  }
0x42: {  	[sflag:s17] =	ssyncset.done $0x0  }
0x43: {  	[sflag:s17] =	ssyncadd.s32 $0xFFFF9000  }
0x44: {  	[spmem:s5] =	stream.indirect.scatter.add.f32 [tilespmem:s24], [sflag:$0x2], $0x10, s25, s20, $0xb8;
	[tilespmem:$0x1E460] =	vst v63  }
0x45: {  	_ =	swait.ge [sflag:s17], $0x700  }
0x46: {  	s30 =	simm.s32 $0x380;
	s28 =	simm.s32 $0x1C0;
	[sflag:s17] =	ssyncset.done $0x0  }
.LBB2_2:
0x47: {  	s31 =	sshra.s32 s28, $0x2  }
0x48: {  	[sflag:s17] =	ssyncadd.s32 $0xFFFFF900;
	s28 =	smov.u32 s30;
	s29 =	sadd.s32 $0x1C0, s30  }
0x49: {  	p0 =	sne.s32 s30, $0x2F40;
	v0 =	vld [tilespmem:s31+$0xC40];
	_ =	sdelay $0x4  }
0x4a: {  	[tilespmem:$0x18F0] =	vst v0  }
0x4b: {  	v0 =	vld [tilespmem:s31+$0xC50];
	_ =	sdelay $0x4  }
0x4c: {  	[tilespmem:$0x1900] =	vst v0  }
0x4d: {  	v0 =	vld [tilespmem:s31+$0xC60];
	_ =	sdelay $0x4  }
0x4e: {  	[tilespmem:$0x1910] =	vst v0  }
0x4f: {  	v0 =	vld [tilespmem:s31+$0xC70];
	_ =	sdelay $0x4  }
0x50: {  	[tilespmem:$0x1920] =	vst v0  }
0x51: {  	v0 =	vld [tilespmem:s31+$0xC80];
	_ =	sdelay $0x4  }
0x52: {  	[tilespmem:$0x1930] =	vst v0  }
0x53: {  	v0 =	vld [tilespmem:s31+$0xC90];
	_ =	sdelay $0x4  }
0x54: {  	[tilespmem:$0x1940] =	vst v0  }
0x55: {  	v0 =	vld [tilespmem:s31+$0xCA0];
	_ =	sdelay $0x4  }
0x56: {  	[tilespmem:$0x1950] =	vst v0  }
0x57: {  	[tilespmem:s21], [sflag:$0x1] =	stream.indirect.gather [hbm4b:s8+s20], $0x1, s31, s20, $0xb8;
	[tilespmem:$0x1E460] =	vst v63  }
0x58: {  	_ =	swait.ge [sflag:s22], $0x70  }
0x59: {  	[sflag:s22] =	ssyncset.done $0x0  }
0x5a: {  	[sflag:s22] =	ssyncadd.s32 $0xFFFFFF90  }
0x5b: {  	[tilespmem:s23], [sflag:$0x1] =	stream.indirect.gather [hbm4b:s7+s20], $0x100, s21, s20, $0xb8;
	[tilespmem:$0x1E460] =	vst v63  }
0x5c: {  	_ =	swait.ge [sflag:s22], $0x7000  }
0x5d: {  	[sflag:s22] =	ssyncset.done $0x0  }
0x5e: {  	[sflag:s22] =	ssyncadd.s32 $0xFFFF9000  }
0x5f: {  	[tilespmem:s24], [sflag:$0x1] =	stream.indirect.gather [hbm4b:s1+s20], $0x10, s21, s20, $0xb8;
	[tilespmem:$0x1E460] =	vst v63  }
0x60: {  	_ =	swait.ge [sflag:s22], $0x700  }
0x61: {  	[sflag:s22] =	ssyncset.done $0x0  }
0x62: {  	[sflag:s22] =	ssyncadd.s32 $0xFFFFF900  }
0x63: {  	[spmem:s4] =	stream.indirect.scatter.add.f32 [tilespmem:s23], [sflag:$0x2], $0x100, s25, s20, $0xb8;
	[tilespmem:$0x1E460] =	vst v63  }
0x64: {  	_ =	swait.ge [sflag:s17], $0x7000  }
.Ltmp0:
0x65: {  	[sflag:s17] =	ssyncset.done $0x0;
	(pc) =	sbr.rel @p0 .LBB2_2-.Ltmp0, $4  }
0x66: {  	[sflag:s17] =	ssyncadd.s32 $0xFFFF9000  }
0x67: {  	[spmem:s5] =	stream.indirect.scatter.add.f32 [tilespmem:s24], [sflag:$0x2], $0x10, s25, s20, $0xb8;
	[tilespmem:$0x1E460] =	vst v63  }
0x68: {  	_ =	swait.ge [sflag:s17], $0x700  }
0x69: {  	s30 =	smov.u32 s29;
	[sflag:s17] =	ssyncset.done $0x0  }
0x6a: {  	s28 =	sshra.s32 s28, $0x2;
	[sflag:s17] =	ssyncadd.s32 $0xFFFFF900  }
0x6b: {  	v0 =	vld [tilespmem:s28+$0xC40];
	_ =	sdelay $0x4  }
0x6c: {  	[tilespmem:$0x18F0] =	vst v0  }
0x6d: {  	v0 =	vld [tilespmem:s28+$0xC50];
	_ =	sdelay $0x4  }
0x6e: {  	[tilespmem:$0x1900] =	vst v0  }
0x6f: {  	v0 =	vld [tilespmem:s28+$0xC60];
	_ =	sdelay $0x4  }
0x70: {  	[tilespmem:$0x1910] =	vst v0  }
0x71: {  	v0 =	vld [tilespmem:s28+$0xC70];
	_ =	sdelay $0x4  }
0x72: {  	[tilespmem:$0x1920] =	vst v0  }
0x73: {  	v0 =	vld [tilespmem:s28+$0xC80];
	_ =	sdelay $0x4  }
0x74: {  	[tilespmem:$0x1930] =	vst v0  }
0x75: {  	v0 =	vld [tilespmem:s28+$0xC90];
	_ =	sdelay $0x4  }
0x76: {  	[tilespmem:$0x1940] =	vst v0  }
0x77: {  	v0 =	vld [tilespmem:s28+$0xCA0];
	_ =	sdelay $0x4  }
0x78: {  	[tilespmem:$0x1950] =	vst v0  }
0x79: {  	[tilespmem:s21], [sflag:$0x1] =	stream.indirect.gather [hbm4b:s8+s20], $0x1, s28, s20, $0xb8;
	[tilespmem:$0x1E460] =	vst v63  }
0x7a: {  	_ =	swait.ge [sflag:s22], $0x70  }
0x7b: {  	[sflag:s22] =	ssyncset.done $0x0  }
0x7c: {  	[sflag:s22] =	ssyncadd.s32 $0xFFFFFF90  }
0x7d: {  	[tilespmem:s23], [sflag:$0x1] =	stream.indirect.gather [hbm4b:s7+s20], $0x100, s21, s20, $0xb8;
	[tilespmem:$0x1E460] =	vst v63  }
0x7e: {  	_ =	swait.ge [sflag:s22], $0x7000  }
0x7f: {  	[sflag:s22] =	ssyncset.done $0x0  }
0x80: {  	[sflag:s22] =	ssyncadd.s32 $0xFFFF9000  }
0x81: {  	[tilespmem:s24], [sflag:$0x1] =	stream.indirect.gather [hbm4b:s1+s20], $0x10, s21, s20, $0xb8;
	[tilespmem:$0x1E460] =	vst v63  }
0x82: {  	_ =	swait.ge [sflag:s22], $0x700  }
0x83: {  	[sflag:s22] =	ssyncset.done $0x0  }
0x84: {  	[sflag:s22] =	ssyncadd.s32 $0xFFFFF900  }
0x85: {  	[spmem:s4] =	stream.indirect.scatter.add.f32 [tilespmem:s23], [sflag:$0x2], $0x100, s25, s20, $0xb8;
	[tilespmem:$0x1E460] =	vst v63  }
0x86: {  	_ =	swait.ge [sflag:s17], $0x7000  }
0x87: {  	[sflag:s17] =	ssyncset.done $0x0  }
0x88: {  	[sflag:s17] =	ssyncadd.s32 $0xFFFF9000  }
0x89: {  	[spmem:s5] =	stream.indirect.scatter.add.f32 [tilespmem:s24], [sflag:$0x2], $0x10, s25, s20, $0xb8;
	[tilespmem:$0x1E460] =	vst v63  }
0x8a: {  	_ =	swait.ge [sflag:s17], $0x700  }
0x8b: {  	[sflag:s17] =	ssyncset.done $0x0  }
0x8c: {  	[sflag:s17] =	ssyncadd.s32 $0xFFFFF900  }
0x8d: {  	[bflag:$0x0] =	sbarrier.arrive $0xFFFF  }
0x8e: {  	[hbm:s13], [sflag:s10] =	dma.local [spmem:s16], $0x2800  }
0x8f: {  	s26 =	sadd.s32 $0x1, s26;
	_ =	swait.ge [sflag:s17], $0x2800  }
0x90: {  	p0 =	sne.s32 s26, s15;
	[sflag:s17] =	ssyncset.done $0x0  }
.Ltmp1:
0x91: {  	[sflag:s17] =	ssyncadd.s32 $0xFFFFD800;
	(pc) =	sbr.rel @p0 .LBB2_1-.Ltmp1, $4  }
0x92: {  	[hbm:s14], [sflag:s10] =	dma.local [spmem:s18], $0x280  }
0x93: {  	_ =	swait.ge [sflag:s17], $0x280  }
0x94: {  	[sflag:s17] =	ssyncset.done $0x0  }
0x95: {  	[sflag:s17] =	ssyncadd.s32 $0xFFFFFD80  }
0x96: {  	_ =	sfence.sel $0x180000  }
0x97: {  	[bflag:$0x0] =	sbarrier.arrive $0xFFFF  }
0x98: {  	p0 =	sne.s32 s0, $0x0;
	_ =	strace $0x9000004A  }
0x99: {  	s0 =	sadd.s32 @!p0 $0x100000, s2;
	[bflag:$0x2] =	sbarrier.arrive $0xFFFF  }
0x9a: {  	[sflag:s0] =	ssyncadd.tile.s32 @!p0 $0x1;
	_ =	shalt  }
.Lfunc_end2:
_tile_overlayer_lowered:
.L_overlay_start_2:
0x9b: {  	(tag) =	ssettag $0x2  }
0x9c: {  	s0 =	rddreg [dreg:$0x0];
	s2 =	stileid.u32  }
0x9d: {  	s1 =	rddreg [dreg:$0x1];
	p0 =	sne.s32 s2, $0x0  }
0x9e: {  	s3 =	rddreg [dreg:$0x2];
	[bflag:$0x3] =	sbarrier.arrive $0xFFFF;
	s2 =	simm.s32 @!p0 $0x1C02  }
0x9f: {  	[timem:s3], [sflag:s2] =	dma.local @!p0 [hbm:s0], s1  }
0xa0: {  	s0 =	simm.s32 @!p0 $0x2  }
0xa1: {  	_ =	swait.ge @!p0 [sflag:s0], s1  }
0xa2: {  	s1 =	ssub.s32 @!p0 $0x0, s1;
	[sflag:s0] =	ssyncset.done @!p0 $0x0  }
0xa3: {  	[sflag:s0] =	ssyncadd.s32 @!p0 s1  }
0xa4: {  	[bflag:$0x3] =	sbarrier.arrive $0xFFFF  }
0xa5: {  	_ =	shalt  }

// kernel: sparse-core-data-format-call.cloned.1.call-start
scs
called_computation_lowered:
.L_overlay_start_0:
0x0: {  	s1 =	sld [smem:$0x3FD9]  }
0x1: {  	s2 =	sld [smem:$0x3FFE];
	_ =	sdelay $0x1  }
0x2: {  	s3 =	srdreg.scid  }
0x3: {  	s0 =	sand.u32 $0x1, s3  }
0x4: {  	s17 =	sshll.u32 s0, $0xA;
	s1 =	sadd.s32 s2, s1  }
0x5: {  	s1 =	sadd.s32 s1, s17  }
0x6: {  	[smem:$0x3FC2] =	sst s1  }
0x7: {  	_ = 	snop  }
0x8: {  	(tm) =	ssettm $0x1  }
0x9: {  	s18 =	sld [smem:$0x3FFB];
	_ =	sdelay $0x3  }
0xa: {  	_ =	strace s18  }
0xb: {  	s1 =	sld [smem:$0x3FFC];
	_ =	sdelay $0x3  }
0xc: {  	_ =	strace s1  }
0xd: {  	s1 =	sld [smem:$0x3FFD];
	_ =	sdelay $0x3  }
0xe: {  	_ =	strace s1  }
0xf: {  	_ =	strace $0x8FFFFFFF  }
0x10: {  	s19 =	sld [smem:$0x3FDB];
	_ =	sdelay $0x1  }
0x11: {  	s20 =	simm.s32 $_scs_section_size  }
0x12: {  	s4 =	simm.s32 $_size__tile_overlayer_lowered;
	s5 =	simm.s32 $_tile_overlayer_lowered  }
0x13: {  	s23 =	simm.s32 $0x1BFF;
	s22 =	sshll.u32 s5, $0x1;
	s1 =	sadd.s32 s20, s19  }
0x14: {  	s6 =	simm.s32 $0x0;
	s21 =	sshll.u32 s4, $0x1;
	s4 =	sadd.s32 s22, s1  }
0x15: {  	[timem:s6], [sflag:s23] =	dma.local [hbm:s4], s21  }
0x16: {  	_ =	swait.ge [sflag:s23], s21  }
0x17: {  	s2 =	ssub.s32 $0x0, s21;
	[sflag:s23] =	ssyncset.done $0x0  }
0x18: {  	[sflag:s23] =	ssyncadd.s32 s2;
	_ =	sdelay $0x1  }
0x19: {  	s24 =	simm.s32 $0x1B8B  }
0x1a: {  	_ =	swait.ge [sflag:s24], $0x1  }
0x1b: {  	[sflag:s24] =	ssyncset.done $0x0  }
0x1c: {  	s26 =	simm.s32 $0x1B8E;
	s25 =	sld [smem:$0x3FFE];
	[sflag:s24] =	ssyncadd.s32 $0xFFFFFFFF  }
0x1d: {  	s27 =	simm.s32 $execute0_lowered;
	[smem:$0x3FD2] =	sst s26  }
0x1e: {  	s4 =	sshll.u32 s27, $0x1;
	_ =	strace $0x80000046;
	[dreg:$0x1] =	wrdreg $0xFFFFFFFF  }
0x1f: {  	s28 =	simm.s32 $_size_execute0_lowered;
	s1 =	sadd.s32 s1, s4;
	[dreg:$0x0] =	wrdreg $0x0  }
0x20: {  	s4 =	sshll.u32 s28, $0x1;
	[dreg:$0x2] =	wrdreg s1  }
0x21: {  	[dreg:$0x3] =	wrdreg s4  }
0x22: {  	[dreg:$0x4] =	wrdreg $0xC0  }
0x23: {  	_ =	task [dreg:s6], $0x5FFFF  }
0x24: {  	[dreg:$0x1] =	wrdreg $0xFFFFFFFF  }
0x25: {  	[dreg:$0x0] =	wrdreg $0x60  }
0x26: {  	[dreg:$0x2] =	wrdreg s25  }
0x27: {  	[dreg:$0x3] =	wrdreg $0x9  }
0x28: {  	_ =	task.clear_ibuf [dreg:s6], $0x4FFFF;
	_ =	strace $0x90000046  }
0x29: {  	s29 =	simm.s32 $0x9;
	_ =	strace $0x80000048  }
0x2a: {  	_ =	swait.ge [sflag:s29], $0x1  }
0x2b: {  	[sflag:s29] =	ssyncadd.s32 $0xFFFFFFFF  }
0x2c: {  	_ =	strace $0x90000048  }
0x2d: {  	_ =	sfence  }
0x2e: {  	s30 =	sld [smem:$0x0];
	_ =	sdelay $0x2  }
0x2f: {  	s31 =	sshll.u32 s3, $0xD;
	s3 =	sshrl.u32 s3, $0x2  }
0x30: {  	s2 =	sand.u32 $0x4000, s31;
	s1 =	sadd.s32 s3, s30  }
0x31: {  	s0 =	sor.u32 s2, s0;
	s1 =	sshll.u32 s1, $0x11  }
0x32: {  	s0 =	sor.u32 s1, s0  }
0x33: {  	s0 =	sadd.s32 $0x8F2B, s0  }
0x34: {  	[sflag:s0] =	ssyncadd.remote.s32 $0x1  }
0x35: {  	_ =	sfence.sel $0xFFFF  }
0x36: {  	[dreg:$0x0] =	wrdreg $0xFFFFFFFF;
	(pc) =	sbr.abs _section_cstart, $3  }
0x37: {  	[dreg:$0x1] =	wrdreg $0xFFFFFFFF  }
0x38: {  	_ =	task.clear_ibuf [dreg:s6], $0x2FFFF;
	_ =	strace $0x9FFFFFFF  }
0x39: {  	(tm) =	ssettm $0x7FFFFFFF  }
tec
execute0_lowered:
.L_overlay_start_1:
0x0: {  	(tag) =	ssettag $0x1  }
0x1: {  	s0 =	srdreg.scid  }
0x2: {  	s5 =	rddreg [dreg:$0x0];
	s1 =	stileid.u32;
	s4 =	simm.s32 $0x1  }
0x3: {  	s6 =	simm.s32 $0x2;
	s8 =	simm.s32 $0x0;
	s2 =	sshll.u32 s0, $0x4  }
0x4: {  	s9 =	simm.s32 $0x0;
	s13 =	simm.s32 $0x0;
	s2 =	sand.u32 $0x10, s2  }
.Ltmp0:
0x5: {  	s10 =	simm.s32 $0x0;
	s3 =	sor.u32 s1, s2;
	(pc) =	sbr.rel .LBB1_1-.Ltmp0, $4  }
0x6: {  	s0 =	rddreg [dreg:$0x1];
	_ =	strace $0x80000047;
	s3 =	sshll.u32 s3, $0x3  }
0x7: {  	s12 =	simm.s32 $0x0;
	[sflag:s4] =	ssyncpa.u1 $0x0;
	s7 =	ssub.s32 $0x1868, s3  }
0x8: {  	s2 =	sadd.s32 $0xC6800, s5;
	[sflag:s6] =	ssyncpa.u1 $0x0;
	s6 =	sshrl.u32 s7, $0x8  }
0x9: {  	s5 =	sadd.s32 $0x24D200, s5;
	s11 =	smov.u32 s3;
	s7 =	sadd.s32 $0x2, s6  }
.LBB1_9:
0xa: {  	s15 =	sshll.u32 s12, $0xE  }
0xb: {  	s16 =	sshll.u32 s10, $0x8;
	s15 =	sand.u32 $0x4000, s15  }
0xc: {  	s16 =	sadd.s32 s5, s16;
	s15 =	sor.u32 $0x8000, s15  }
0xd: {  	[hbm4b:s16+s8] =	stream.linear.scatter [tilespmem:s15], [sflag:$0x2], s14, $0x38;
	[tilespmem:$0x10000] =	vst v63  }
.LBB1_10:
0xe: {  	p0 =	slt.u32 s12, $0x2  }
0xf: {  	p1 =	sgt.s32 @!p0 s13, $0x1862  }
0x10: {  	s14 =	smov.u32 s13;
	s15 =	sshra.s32 @!p0 s13, $0x1F;
	p1 =	por !p1, p0  }
0x11: {  	s13 =	sand.u32 @!p0 s15, s13;
	s14 =	simm.s32 @p1 $0x1862  }
0x12: {  	s13 =	ssub.s32 @!p0 s14, s13  }
0x13: {  	s13 =	sadd.s32 @!p0 $0xFFFFE79E, s13  }
0x14: {  	s14 =	sshll.u32 @!p0 s13, $0xD  }
0x15: {  	p1 =	sgt.s32 @!p0 s13, $0x7;
	s13 =	ssub.s32 @!p0 $0x10000, s14  }
0x16: {  	s15 =	sadd.s32 $0x100, s11;
	p1 =	por !p1, p0;
	s13 =	sshrl.u32 @!p0 s13, $0x2  }
0x17: {  	s13 =	simm.s32 @!p1 $0x0;
	p1 =	sgt.s32 s15, $0x1869  }
0x18: {  	s15 =	smov.u32 @p1 s3;
	p1 =	sne.s32 s12, s7  }
.Ltmp1:
0x19: {  	_ = 	snop;
	(pc) =	sbr.rel @!p1 .LBB1_11-.Ltmp1, $4  }
0x1a: {  	s14 =	simm.s32 @!p0 $0x2  }
0x1b: {  	s9 =	sadd.s32 $0x4000, s9;
	_ =	swait.ge @!p0 [sflag:s14], s13;
	s16 =	ssub.s32 @!p0 $0x0, s13  }
0x1c: {  	s13 =	smov.u32 s10;
	s12 =	sadd.s32 $0x1, s12;
	[sflag:s14] =	ssyncset.done @!p0 $0x0  }
0x1d: {  	s10 =	smov.u32 s11;
	s11 =	smov.u32 s15;
	[sflag:s14] =	ssyncadd.s32 @!p0 s16  }
.LBB1_1:
0x1e: {  	p0 =	sgt.u32 s12, s6  }
0x1f: {  	p1 =	sgt.s32 @!p0 s11, $0x1862  }
0x20: {  	s14 =	smov.u32 s11;
	s15 =	sshra.s32 @!p0 s11, $0x1F;
	p1 =	por !p1, p0  }
0x21: {  	s15 =	sand.u32 @!p0 s15, s11;
	s14 =	simm.s32 @p1 $0x1862  }
0x22: {  	s14 =	ssub.s32 @!p0 s14, s15  }
0x23: {  	s14 =	sadd.s32 @!p0 $0xFFFFE79E, s14  }
0x24: {  	s17 =	simm.s32 @!p0 $0x0;
	s15 =	sxor.u32 @!p0 $0xFFFFFFFF, s12;
	s16 =	sshll.u32 @!p0 s14, $0xD  }
0x25: {  	s15 =	sshll.u32 @!p0 s15, $0xE;
	p1 =	sgt.s32 @!p0 s14, $0x7;
	s14 =	ssub.s32 @!p0 $0x10000, s16  }
0x26: {  	p1 =	por !p1, p0;
	s16 =	sshll.u32 @!p0 s11, $0x8;
	s14 =	sshrl.u32 @!p0 s14, $0x2  }
0x27: {  	s15 =	sand.u32 @!p0 $0x4000, s15;
	s16 =	sadd.s32 @!p0 s2, s16;
	s14 =	simm.s32 @!p1 $0x0  }
0x28: {  	[tilespmem:s15], [sflag:$0x1] =	stream.linear.gather @!p0 [hbm4b:s16+s17], s14, $0x38;
	[tilespmem:$0x10000] =	vst v63  }
0x29: {  	p0 =	seq.s32 s12, $0x0  }
0x2a: {  	p1 =	sge.u32 @!p0 s12, s7  }
0x2b: {  	p0 =	por p0, p1  }
.Ltmp2:
0x2c: {  	_ = 	snop;
	(pc) =	sbr.rel @p0 .LBB1_10-.Ltmp2, $1  }
0x2d: {  	_ =	sdelay $0x3  }
0x2e: {  	p0 =	sgt.s32 s10, $0x1862;
	s14 =	smov.u32 s10;
	s15 =	sshra.s32 s10, $0x1F  }
0x2f: {  	s14 =	simm.s32 @!p0 $0x1862;
	s15 =	sand.u32 s15, s10  }
0x30: {  	s14 =	ssub.s32 s14, s15  }
0x31: {  	s16 =	sadd.s32 $0x8, s10;
	s14 =	sadd.s32 $0xFFFFE79E, s14  }
0x32: {  	p1 =	slt.s32 s16, $0x186A;
	s30 =	sshll.u32 s14, $0xD  }
0x33: {  	s16 =	simm.s32 @!p1 $0x186A;
	s15 =	ssub.s32 $0x10000, s30  }
0x34: {  	p0 =	sgt.s32 s14, $0x7;
	s14 =	sshrl.u32 s15, $0x2;
	s15 =	ssub.s32 s16, s10  }
0x35: {  	s14 =	simm.s32 @p0 $0x0;
	p0 =	slt.s32 s15, $0x1  }
.Ltmp3:
0x36: {  	_ = 	snop;
	(pc) =	sbr.rel @p0 .LBB1_9-.Ltmp3, $4  }
0x37: {  	_ = 	snop  }
0x38: {  	_ =	swait.ge [sflag:s4], s14  }
0x39: {  	s31 =	ssub.s32 $0x0, s14;
	[sflag:s4] =	ssyncset.done $0x0  }
0x3a: {  	[sflag:s4] =	ssyncadd.s32 s31  }
0x3b: {  	s16 =	sshll.u32 s9, $0x2  }
0x3c: {  	s16 =	sand.u32 $0x10000, s16  }
0x3d: {  	s16 =	sshrl.u32 s16, $0x2  }
0x3e: {  	s18 =	simm.s32 $0x0;
	s19 =	simm.s32 $0x0;
	s17 =	sor.u32 $0x8000, s16  }
.LBB1_4:
0x3f: {  	s20 =	sshra.s32 s18, $0x2  }
0x40: {  	v0 =	vmov s20;
	_ =	sdelay $0x3  }
0x41: {  	p1 =	por $0x1, $0x1;
	s20 =	simm.s32 $0x0  }
.LBB1_5:
0x42: {  	_ = 	snop  }
0x43: {  	s21 =	sshll.u32 s20, $0xA  }
0x44: {  	s21 =	sand.u32 $0x3FFFFC00, s21  }
0x45: {  	s21 =	sadd.s32 s21, s16  }
0x46: {  	v5 =	vld.idx.msk [tilespmem:v0+s21+$0x70 ss:$0x1], $0xffff  }
0x47: {  	v6 =	vld.idx.msk [tilespmem:v0+s21+$0x10 ss:$0x1], $0xffff  }
0x48: {  	v7 =	vld.idx.msk [tilespmem:v0+s21+$0x20 ss:$0x1], $0xffff  }
0x49: {  	s31 =	sshll.u32 s20, $0x7;
	v1 =	vld.idx.msk [tilespmem:v0+s21+$0x30 ss:$0x1], $0xffff  }
0x4a: {  	s20 =	sand.u32 $0x3FFFFF80, s31;
	v2 =	vld.idx.msk [tilespmem:v0+s21+$0x40 ss:$0x1], $0xffff  }
0x4b: {  	s20 =	sadd.s32 s20, s17;
	v3 =	vld.idx.msk [tilespmem:v0+s21+$0x50 ss:$0x1], $0xffff  }
0x4c: {  	v4 =	vld.idx.msk [tilespmem:v0+s21+$0x60 ss:$0x1], $0xffff;
	[tilespmem:v0+s20+$0x70 ss:$0x1] =	vst.idx.msk $0xffff, v5  }
0x4d: {  	v5 =	vld.idx.msk [tilespmem:v0+s21+$0x0 ss:$0x1], $0xffff;
	[tilespmem:v0+s20+$0x10 ss:$0x1] =	vst.idx.msk $0xffff, v6;
	s21 =	sadd.s32 $0x80, s21  }
0x4e: {  	p0 =	por p1, p1;
	s22 =	simm.s32 $0x6;
	[tilespmem:v0+s20+$0x20 ss:$0x1] =	vst.idx.msk $0xffff, v7;
	v6 =	vld.idx.msk [tilespmem:v0+s21+$0x70 ss:$0x1], $0xffff  }
.LBB1_6:
0x4f: {  	p1 =	sne.s32 s22, $0x1;
	v7 =	vld.idx.msk [tilespmem:v0+s21+$0x10 ss:$0x1], $0xffff;
	[tilespmem:v0+s20+$0x30 ss:$0x1] =	vst.idx.msk $0xffff, v1  }
0x50: {  	v8 =	vld.idx.msk [tilespmem:v0+s21+$0x20 ss:$0x1], $0xffff;
	[tilespmem:v0+s20+$0x40 ss:$0x1] =	vst.idx.msk $0xffff, v2  }
0x51: {  	v1 =	vld.idx.msk [tilespmem:v0+s21+$0x30 ss:$0x1], $0xffff;
	[tilespmem:v0+s20+$0x50 ss:$0x1] =	vst.idx.msk $0xffff, v3  }
.Ltmp4:
0x52: {  	v2 =	vld.idx.msk [tilespmem:v0+s21+$0x40 ss:$0x1], $0xffff;
	[tilespmem:v0+s20+$0x60 ss:$0x1] =	vst.idx.msk $0xffff, v4;
	(pc) =	sbr.rel @p1 .LBB1_6-.Ltmp4, $4  }
0x53: {  	v3 =	vld.idx.msk [tilespmem:v0+s21+$0x50 ss:$0x1], $0xffff;
	[tilespmem:v0+s20+$0x0 ss:$0x1] =	vst.idx.msk $0xffff, v5;
	s20 =	sadd.s32 $0x100, s20  }
0x54: {  	v4 =	vld.idx.msk [tilespmem:v0+s21+$0x60 ss:$0x1], $0xffff;
	[tilespmem:v0+s20+$0x70 ss:$0x1] =	vst.idx.msk $0xffff, v6  }
0x55: {  	v5 =	vld.idx.msk [tilespmem:v0+s21+$0x0 ss:$0x1], $0xffff;
	[tilespmem:v0+s20+$0x10 ss:$0x1] =	vst.idx.msk $0xffff, v7;
	s21 =	sadd.s32 $0x80, s21  }
0x56: {  	s22 =	sadd.s32 $0xFFFFFFFF, s22;
	v6 =	vld.idx.msk [tilespmem:v0+s21+$0x70 ss:$0x1], $0xffff;
	[tilespmem:v0+s20+$0x20 ss:$0x1] =	vst.idx.msk $0xffff, v8  }
0x57: {  	_ =	sdelay $0x3  }
0x58: {  	[tilespmem:v0+s20+$0x30 ss:$0x1] =	vst.idx.msk $0xffff, v1  }
0x59: {  	v1 =	vld.idx.msk [tilespmem:v0+s21+$0x10 ss:$0x1], $0xffff;
	[tilespmem:v0+s20+$0x40 ss:$0x1] =	vst.idx.msk $0xffff, v2  }
0x5a: {  	v2 =	vld.idx.msk [tilespmem:v0+s21+$0x20 ss:$0x1], $0xffff;
	[tilespmem:v0+s20+$0x50 ss:$0x1] =	vst.idx.msk $0xffff, v3  }
0x5b: {  	v61 =	vld.idx.msk [tilespmem:v0+s21+$0x40 ss:$0x1], $0xffff;
	[tilespmem:v0+s20+$0x60 ss:$0x1] =	vst.idx.msk $0xffff, v4  }
0x5c: {  	s31 =	sadd.s32 $0x100, s20;
	v62 =	vld.idx.msk [tilespmem:v0+s21+$0x50 ss:$0x1], $0xffff;
	[tilespmem:v0+s20+$0x0 ss:$0x1] =	vst.idx.msk $0xffff, v5  }
0x5d: {  	v63 =	vld.idx.msk [tilespmem:v0+s21+$0x60 ss:$0x1], $0xffff;
	[tilespmem:v0+s31+$0x70 ss:$0x1] =	vst.idx.msk $0xffff, v6  }
0x5e: {  	v3 =	vld.idx.msk [tilespmem:v0+s21+$0x30 ss:$0x1], $0xffff;
	[tilespmem:v0+s31+$0x10 ss:$0x1] =	vst.idx.msk $0xffff, v1  }
0x5f: {  	v1 =	vld.idx.msk [tilespmem:v0+s21+$0x0 ss:$0x1], $0xffff;
	[tilespmem:v0+s31+$0x20 ss:$0x1] =	vst.idx.msk $0xffff, v2  }
.Ltmp5:
0x60: {  	[tilespmem:v0+s31+$0x40 ss:$0x1] =	vst.idx.msk $0xffff, v61;
	(pc) =	sbr.rel @p0 .LBB1_5-.Ltmp5, $4  }
0x61: {  	[tilespmem:v0+s31+$0x50 ss:$0x1] =	vst.idx.msk $0xffff, v62  }
0x62: {  	[tilespmem:v0+s31+$0x60 ss:$0x1] =	vst.idx.msk $0xffff, v63  }
0x63: {  	[tilespmem:v0+s31+$0x30 ss:$0x1] =	vst.idx.msk $0xffff, v3  }
0x64: {  	p1 =	por $0x0, $0x0;
	s20 =	simm.s32 $0x1;
	[tilespmem:v0+s31+$0x0 ss:$0x1] =	vst.idx.msk $0xffff, v1  }
0x65: {  	s19 =	sadd.s32 $0x1, s19  }
0x66: {  	p0 =	sne.s32 s19, s15  }
.Ltmp6:
0x67: {  	_ = 	snop;
	(pc) =	sbr.rel @p0 .LBB1_4-.Ltmp6, $4  }
.Ltmp7:
0x68: {  	_ = 	snop;
	(pc) =	sbr.rel @!p0 .LBB1_9-.Ltmp7, $4  }
0x69: {  	_ = 	snop  }
0x6a: {  	_ = 	snop  }
0x6b: {  	s18 =	sadd.s32 $0x2000, s18  }
0x6c: {  	_ = 	snop  }
.LBB1_11:
0x6d: {  	_ =	sfence.sel $0x180000  }
0x6e: {  	s2 =	simm.s32 $0x1;
	[bflag:$0x0] =	sbarrier.arrive $0xFFFF  }
0x6f: {  	s31 =	simm.s32 $0x2;
	[sflag:s2] =	ssyncpa.u1 $0x1  }
0x70: {  	[sflag:s31] =	ssyncpa.u1 $0x1  }
0x71: {  	p0 =	sne.s32 s1, $0x0;
	_ =	strace $0x90000047  }
0x72: {  	s0 =	sadd.s32 @!p0 $0x100000, s0;
	[bflag:$0x2] =	sbarrier.arrive $0xFFFF  }
0x73: {  	[sflag:s0] =	ssyncadd.tile.s32 @!p0 $0x1;
	_ =	shalt  }
.Lfunc_end1:
_tile_overlayer_lowered:
.L_overlay_start_2:
0x74: {  	(tag) =	ssettag $0x2  }
0x75: {  	s0 =	rddreg [dreg:$0x0];
	s2 =	stileid.u32  }
0x76: {  	s1 =	rddreg [dreg:$0x1];
	p0 =	sne.s32 s2, $0x0  }
0x77: {  	s3 =	rddreg [dreg:$0x2];
	[bflag:$0x3] =	sbarrier.arrive $0xFFFF;
	s2 =	simm.s32 @!p0 $0x1C01  }
0x78: {  	[timem:s3], [sflag:s2] =	dma.local @!p0 [hbm:s0], s1  }
0x79: {  	s0 =	simm.s32 @!p0 $0x1  }
0x7a: {  	_ =	swait.ge @!p0 [sflag:s0], s1  }
0x7b: {  	s1 =	ssub.s32 @!p0 $0x0, s1;
	[sflag:s0] =	ssyncset.done @!p0 $0x0  }
0x7c: {  	[sflag:s0] =	ssyncadd.s32 @!p0 s1  }
0x7d: {  	[bflag:$0x3] =	sbarrier.arrive $0xFFFF  }
0x7e: {  	_ =	shalt  }

</sc_bundles>
